<compile_context>
chip_gen: v7x
topology: tpu7x:2x2x1
jax: 0.10.2.dev20260603
libtpu: 0.0.44.dev20260713+nightly
codegen_flags: <defaults>
</compile_context>

<pallas_src>
import functools

import jax
import jax.numpy as jnp
from jax import lax
from jax.experimental import pallas as pl
from jax.experimental.pallas import tpu as pltpu
from jax.experimental.pallas import tpu_sc as plsc

_MB = 256
_CH = 512


def _meta_body(idx_s_ref, idx_t_ref, cm_t_ref, pos_ref, blk_ref, util_ref,
               rank_ref, *, S, E, NBLK):
    eids = lax.broadcasted_iota(jnp.int32, (S, E), 1)
    O = (idx_s_ref[...] == eids).astype(jnp.float32)

    ri = lax.broadcasted_iota(jnp.int32, (_CH, _CH), 0)
    ci = lax.broadcasted_iota(jnp.int32, (_CH, _CH), 1)
    LT = (ri > ci).astype(jnp.float32)
    carry = jnp.zeros((1, E), jnp.float32)
    for i in range(S // _CH):
        Oc = O[i * _CH:(i + 1) * _CH]
        rank_ref[i * _CH:(i + 1) * _CH, :] = (
            jnp.dot(LT, Oc, preferred_element_type=jnp.float32) + carry)
        carry = carry + jnp.sum(Oc, axis=0, keepdims=True)
    counts = carry
    padded = jnp.floor((counts + (_MB - 1)) * (1.0 / _MB)) * _MB

    eri = lax.broadcasted_iota(jnp.int32, (E, E), 0)
    eci = lax.broadcasted_iota(jnp.int32, (E, E), 1)
    UT = (eri < eci).astype(jnp.float32)
    bstart = jnp.dot(padded, UT, preferred_element_type=jnp.float32)

    posf = jnp.sum((rank_ref[...] + bstart) * O, axis=1, keepdims=True)
    pos_ref[...] = posf.astype(jnp.int32)

    bpos = lax.broadcasted_iota(jnp.int32, (NBLK, 1), 0).astype(jnp.float32) * _MB
    cnt = jnp.sum((bstart <= bpos).astype(jnp.float32), axis=1, keepdims=True)
    total = jnp.sum(padded)
    blk_ref[...] = jnp.where(bpos < total, cnt - 1.0, -1.0).astype(jnp.int32)

    eids_t = lax.broadcasted_iota(jnp.int32, (idx_t_ref.shape[0], E), 1)
    acc = jnp.zeros((idx_t_ref.shape[0], E), jnp.float32)
    for k in range(idx_t_ref.shape[1]):
        hit = (idx_t_ref[:, k:k + 1] == eids_t) & (cm_t_ref[:, k:k + 1] > 0.0)
        acc = jnp.maximum(acc, hit.astype(jnp.float32))
    util_ref[...] = acc


def _wcast_body(W1_ref, W2_ref, W1o_ref, W2o_ref):
    W1o_ref[...] = W1_ref[...].astype(jnp.bfloat16)
    W2o_ref[...] = W2_ref[...].astype(jnp.bfloat16)


def _mlp_body(blk_ref, xs_ref, W1_ref, b1_ref, W2_ref, b2_ref, z_ref, *, BPS):
    b = pl.program_id(0)
    for half in range(BPS):
        blk_id = blk_ref[b * BPS + half]
        lo = half * _MB

        @pl.when(blk_id >= 0)
        def _(blk_id=blk_id, lo=lo):
            e = jnp.maximum(blk_id, 0)
            xb = xs_ref[lo:lo + _MB, :].astype(jnp.bfloat16)
            h = jnp.maximum(
                jnp.dot(xb, W1_ref[e], preferred_element_type=jnp.float32)
                + b1_ref[e], 0.0)
            z_ref[lo:lo + _MB, :] = jnp.dot(
                h.astype(jnp.bfloat16), W2_ref[e],
                preferred_element_type=jnp.float32) + b2_ref[e]

        @pl.when(blk_id < 0)
        def _(lo=lo):
            z_ref[lo:lo + _MB, :] = jnp.zeros((_MB, z_ref.shape[1]), z_ref.dtype)


def _combine_body(x_ref, w_ref, cm_ref, *rest, T):
    K = w_ref.shape[1]
    z_refs = rest[:K]
    scale_ref = rest[K]
    out_ref = rest[K + 1]
    wb = w_ref[...]
    cmb = cm_ref[...]
    scale = scale_ref[0, 0]
    wsum = jnp.clip(jnp.sum(wb, axis=1, keepdims=True), 1e-12, None)
    nw = wb / wsum
    acc = jnp.sum(nw, axis=1, keepdims=True) * x_ref[...]
    for k in range(K):
        acc = acc + (nw[:, k:k + 1] * cmb[:, k:k + 1]) * z_refs[k][...]
    out_ref[...] = scale * acc


def kernel(x, chosen_idx, chosen_w, compute_mask, route_scale, W1, b1, W2, b2):
    B, N, T = x.shape
    K = chosen_idx.shape[-1]
    E, _, H = W1.shape
    BN = B * N
    S = BN * K
    NBLK = S // _MB + E
    RMAX = NBLK * _MB
    NC, NS = 2, 16
    NW = NC * NS
    SPW = S // NW

    x_flat = x.reshape(BN, T)
    idx_s = chosen_idx.reshape(S, 1).astype(jnp.int32)
    idx_t = chosen_idx.reshape(BN, K).astype(jnp.int32)
    w_t = chosen_w.reshape(BN, K)
    cm_t = compute_mask.reshape(BN, K).astype(jnp.float32)
    scale = route_scale.reshape(1, 1).astype(jnp.float32)
    tok_of_slot = (jnp.arange(S, dtype=jnp.int32) // K).reshape(NW, SPW)

    pos, blk, util = pl.pallas_call(
        functools.partial(_meta_body, S=S, E=E, NBLK=NBLK),
        out_shape=[
            jax.ShapeDtypeStruct((S, 1), jnp.int32),
            jax.ShapeDtypeStruct((NBLK, 1), jnp.int32),
            jax.ShapeDtypeStruct((BN, E), jnp.float32),
        ],
        scratch_shapes=[pltpu.VMEM((S, E), jnp.float32)],
    )(idx_s, idx_t, cm_t)
    pos_rows = pos.reshape(NW, SPW)

    mesh = plsc.VectorSubcoreMesh(core_axis_name="c", subcore_axis_name="s",
                                  num_cores=NC, num_subcores=NS)

    HPW = SPW // 2

    @functools.partial(
        pl.kernel,
        out_type=jax.ShapeDtypeStruct((RMAX, T), jnp.float32),
        mesh=mesh,
        scratch_types=[
            pltpu.VMEM((HPW,), jnp.int32),
            pltpu.VMEM((HPW,), jnp.int32),
            pltpu.VMEM((HPW,), jnp.int32),
            pltpu.VMEM((HPW,), jnp.int32),
            pltpu.VMEM((HPW, T), jnp.float32),
            pltpu.VMEM((HPW, T), jnp.float32),
            pltpu.SemaphoreType.DMA,
            pltpu.SemaphoreType.DMA,
            pltpu.SemaphoreType.DMA,
            pltpu.SemaphoreType.DMA,
        ],
    )
    def dispatch(x_hbm, tok_hbm, pos_hbm, xs_hbm,
                 tok_v0, tok_v1, pos_v0, pos_v1, xbuf0, xbuf1, s1, s2, s3, s4):
        wid = lax.axis_index("s") * NC + lax.axis_index("c")
        pltpu.sync_copy(tok_hbm.at[wid, 0], tok_v0)
        pltpu.sync_copy(tok_hbm.at[wid, 1], tok_v1)
        pltpu.sync_copy(pos_hbm.at[wid, 0], pos_v0)
        pltpu.sync_copy(pos_hbm.at[wid, 1], pos_v1)
        g0 = pltpu.async_copy(x_hbm.at[tok_v0], xbuf0, s1)
        g1 = pltpu.async_copy(x_hbm.at[tok_v1], xbuf1, s2)
        g0.wait()
        c0 = pltpu.async_copy(xbuf0, xs_hbm.at[pos_v0], s3)
        g1.wait()
        c1 = pltpu.async_copy(xbuf1, xs_hbm.at[pos_v1], s4)
        c0.wait()
        c1.wait()

    xs = dispatch(x_flat, tok_of_slot.reshape(NW, 2, HPW),
                  pos_rows.reshape(NW, 2, HPW))

    W1b, W2b = pl.pallas_call(
        _wcast_body,
        grid=(E,),
        in_specs=[
            pl.BlockSpec((1, T, H), lambda e: (e, 0, 0)),
            pl.BlockSpec((1, H, T), lambda e: (e, 0, 0)),
        ],
        out_specs=[
            pl.BlockSpec((1, T, H), lambda e: (e, 0, 0)),
            pl.BlockSpec((1, H, T), lambda e: (e, 0, 0)),
        ],
        out_shape=[
            jax.ShapeDtypeStruct((E, T, H), jnp.bfloat16),
            jax.ShapeDtypeStruct((E, H, T), jnp.bfloat16),
        ],
    )(W1, W2)

    BPS = 4
    z_sorted = pl.pallas_call(
        functools.partial(_mlp_body, BPS=BPS),
        grid_spec=pltpu.PrefetchScalarGridSpec(
            num_scalar_prefetch=1,
            grid=(NBLK // BPS,),
            in_specs=[
                pl.BlockSpec((BPS * _MB, T), lambda b, blk: (b, 0)),
                pl.BlockSpec((E, T, H), lambda b, blk: (0, 0, 0)),
                pl.BlockSpec((E, 1, H), lambda b, blk: (0, 0, 0)),
                pl.BlockSpec((E, H, T), lambda b, blk: (0, 0, 0)),
                pl.BlockSpec((E, 1, T), lambda b, blk: (0, 0, 0)),
            ],
            out_specs=pl.BlockSpec((BPS * _MB, T), lambda b, blk: (b, 0)),
        ),
        out_shape=jax.ShapeDtypeStruct((RMAX, T), jnp.float32),
        compiler_params=pltpu.CompilerParams(
            dimension_semantics=("arbitrary",),
        ),
    )(blk.reshape(NBLK), xs,
      W1b, b1.reshape(E, 1, H),
      W2b, b2.reshape(E, 1, T))

    TPW = BN // NW
    posK = pos.reshape(BN, K)
    pos_k = [posK[:, k].reshape(NW, TPW) for k in range(K)]

    @functools.partial(
        pl.kernel,
        out_type=[jax.ShapeDtypeStruct((BN, T), jnp.float32) for _ in range(K)],
        mesh=mesh,
        scratch_types=(
            [pltpu.VMEM((TPW,), jnp.int32) for _ in range(K)]
            + [pltpu.VMEM((TPW, T), jnp.float32) for _ in range(K)]
            + [pltpu.SemaphoreType.DMA for _ in range(2 * K)]
        ),
    )
    def unsort(z_hbm, *refs):
        pos_hbms = refs[:K]
        z_outs = refs[K:2 * K]
        pos_vs = refs[2 * K:3 * K]
        zbufs = refs[3 * K:4 * K]
        gsems = refs[4 * K:5 * K]
        wsems = refs[5 * K:6 * K]
        wid = lax.axis_index("s") * NC + lax.axis_index("c")
        for k in range(K):
            pltpu.sync_copy(pos_hbms[k].at[wid], pos_vs[k])
        gs = [pltpu.async_copy(z_hbm.at[pos_vs[k]], zbufs[k], gsems[k])
              for k in range(K)]
        ws = []
        for k in range(K):
            gs[k].wait()
            ws.append(pltpu.async_copy(
                zbufs[k], z_outs[k].at[pl.ds(wid * TPW, TPW)], wsems[k]))
        for w in ws:
            w.wait()

    z_k = unsort(z_sorted, *pos_k)

    TBc = 512
    out = pl.pallas_call(
        functools.partial(_combine_body, T=T),
        grid=(BN // TBc,),
        in_specs=(
            [
                pl.BlockSpec((TBc, T), lambda i: (i, 0)),
                pl.BlockSpec((TBc, K), lambda i: (i, 0)),
                pl.BlockSpec((TBc, K), lambda i: (i, 0)),
            ]
            + [pl.BlockSpec((TBc, T), lambda i: (i, 0)) for _ in range(K)]
            + [pl.BlockSpec(memory_space=pltpu.SMEM)]
        ),
        out_specs=pl.BlockSpec((TBc, T), lambda i: (i, 0)),
        out_shape=jax.ShapeDtypeStruct((BN, T), jnp.float32),
    )(x_flat, w_t, cm_t, *z_k, scale)

    return out.reshape(B, N, T), util.reshape(B, N, E)

# --- scband reference (transcript-rebuilt; emitter-appended) ---
"""Pipeline reference for scband-see-15857019257345 (READ-ONLY COPY).

The authoritative reference and input builder live on the scoring server;
editing this copy changes nothing except your own understanding.
"""

import jax, jax.numpy as jnp
import numpy as np

E = 8; T = 768; H = 768; B = 1; N = 2048; K = 2

def setup_inputs(seed: int = 0):
    key = jax.random.key(seed)
    ks = jax.random.split(key, 8)
    x = jax.random.normal(ks[0], (B, N, T), dtype=jnp.float32)
    chosen_idx = jax.random.randint(ks[1], (B, N, K), 0, E)
    chosen_w = jax.random.uniform(ks[2], (B, N, K), dtype=jnp.float32)
    compute_mask = jnp.ones((B, N, K), dtype=bool)
    W1 = jax.random.normal(ks[3], (E, T, H), dtype=jnp.float32) * 0.02
    b1 = jnp.zeros((E, H), dtype=jnp.float32)
    W2 = jax.random.normal(ks[4], (E, H, T), dtype=jnp.float32) * 0.02
    b2 = jnp.zeros((E, T), dtype=jnp.float32)
    route_scale = jnp.asarray(1.2, dtype=jnp.float32)
    return {"x": x, "chosen_idx": chosen_idx, "chosen_w": chosen_w, "compute_mask": compute_mask,
            "route_scale": route_scale, "W1": W1, "b1": b1, "W2": W2, "b2": b2}

def reference(x, chosen_idx, chosen_w, compute_mask, route_scale, W1, b1, W2, b2):
    Bb, Nn, Tt = x.shape
    Kk = chosen_idx.shape[-1]
    BN = Bb * Nn
    Ee = W1.shape[0]
    x_flat = x.reshape(BN, Tt)
    idx = chosen_idx.reshape(BN, Kk)
    w = chosen_w.reshape(BN, Kk)
    cm = compute_mask.reshape(BN, Kk)
    # enhanced_contrib initialized as passthrough copies of the input
    enhanced = jnp.broadcast_to(x_flat[:, None, :], (BN, Kk, Tt))
    util = jnp.zeros((BN, Ee), dtype=jnp.float32)
    for e in range(Ee):
        sel = (idx == e) & cm  # (BN, K)
        # MLPExpert: Linear(T->H) -> ReLU -> Linear(H->T), residual connection
        h = jax.nn.relu(x_flat @ W1[e] + b1[e])
        y = h @ W2[e] + b2[e] + x_flat
        # index_put overwrite at selected (bn, k) slots == masked where (each slot routed to exactly one expert)
        enhanced = jnp.where(sel[:, :, None], y[:, None, :], enhanced)
        # util_add[bn_idx, e] = 1.0 then accumulate -> 1.0 if any k routes token bn to expert e
        util = util.at[:, e].add(jnp.any(sel, axis=1).astype(jnp.float32))
    w_sum = jnp.clip(jnp.sum(w, axis=-1, keepdims=True), 1e-12, None)
    norm_w = w / w_sum
    mixed = jnp.sum(enhanced * norm_w[:, :, None], axis=1)
    enhanced_output = (mixed * route_scale).reshape(Bb, Nn, Tt)
    final_expert_util = util.reshape(Bb, Nn, Ee)
    return enhanced_output, final_expert_util

if __name__ == "__main__":
    import jax
    _d = setup_inputs()
    print(jax.jit(kernel)(*tuple(_d.values())))

</pallas_src>

<mosaic_0001>
#map = affine_map<(d0, d1) -> (0, 0)>
module attributes {stable_mosaic.version = 14 : i64} {
  func.func @unsort(%arg0: i32, %arg1: i32, %arg2: memref<6144x768xf32, #tpu.memory_space<hbm>>, %arg3: memref<32x64xi32, #tpu.memory_space<hbm>>, %arg4: memref<32x64xi32, #tpu.memory_space<hbm>>, %arg5: memref<2048x768xf32, #tpu.memory_space<hbm>>, %arg6: memref<2048x768xf32, #tpu.memory_space<hbm>>, %arg7: memref<64xi32, #tpu.memory_space<vmem>>, %arg8: memref<64xi32, #tpu.memory_space<vmem>>, %arg9: memref<64x768xf32, #tpu.memory_space<vmem>>, %arg10: memref<64x768xf32, #tpu.memory_space<vmem>>, %arg11: memref<!tpu.dma_semaphore, #tpu.memory_space<semaphore_mem>>, %arg12: memref<!tpu.dma_semaphore, #tpu.memory_space<semaphore_mem>>, %arg13: memref<!tpu.dma_semaphore, #tpu.memory_space<semaphore_mem>>, %arg14: memref<!tpu.dma_semaphore, #tpu.memory_space<semaphore_mem>>) attributes {dimension_semantics = [#tpu.dimension_semantics<core_parallel>, #tpu.dimension_semantics<subcore_parallel>], iteration_bounds = array<i64: 2, 16>, scalar_prefetch = 0 : i64, scratch_operands = 8 : i64, tpu.core_type = #tpu.core_type<sc_vector_subcore>, window_params = [{transform_indices = #map}, {transform_indices = #map}, {transform_indices = #map}, {transform_indices = #map}, {transform_indices = #map}]} {
    %mul3A = arith.constant 2 : i32
    %mul3A_0 = arith.muli %arg1, %mul3A : i32
    %add3A = arith.addi %mul3A_0, %arg0 : i32
    "tpu.region"() ({
      %run_scoped3A = tpu.sem_alloc : memref<!tpu.dma_semaphore, #tpu.memory_space<semaphore_mem>>
      %dma_start3A_31 = arith.constant 0 : i32
      %dma_start3A_32 = tpu.memref_slice %arg3[%add3A, %dma_start3A_31] : memref<32x64xi32, #tpu.memory_space<hbm>> -> memref<1x64xi32, #tpu.memory_space<hbm>>
      %dma_start3A_33 = tpu.memref_squeeze %dma_start3A_32 : memref<1x64xi32, #tpu.memory_space<hbm>> -> memref<64xi32, #tpu.memory_space<hbm>>
      %dma_start3A_34 = arith.constant 0 : i32
      %dma_start3A_35 = tpu.memref_slice %arg3[%add3A, %dma_start3A_34] : memref<32x64xi32, #tpu.memory_space<hbm>> -> memref<1x64xi32, #tpu.memory_space<hbm>>
      %dma_start3A_36 = tpu.memref_squeeze %dma_start3A_35 : memref<1x64xi32, #tpu.memory_space<hbm>> -> memref<64xi32, #tpu.memory_space<hbm>>
      tpu.enqueue_dma source(%dma_start3A_36 : memref<64xi32, #tpu.memory_space<hbm>>) target(%arg7 : memref<64xi32, #tpu.memory_space<vmem>>) target_semaphore(%run_scoped3A : memref<!tpu.dma_semaphore, #tpu.memory_space<semaphore_mem>>)
      %dma_wait3A_37 = arith.constant 0 : i32
      %dma_wait3A_38 = tpu.memref_slice %arg3[%add3A, %dma_wait3A_37] : memref<32x64xi32, #tpu.memory_space<hbm>> -> memref<1x64xi32, #tpu.memory_space<hbm>>
      %dma_wait3A_39 = tpu.memref_squeeze %dma_wait3A_38 : memref<1x64xi32, #tpu.memory_space<hbm>> -> memref<64xi32, #tpu.memory_space<hbm>>
      %dma_wait3A_40 = arith.constant 0 : i32
      %dma_wait3A_41 = tpu.memref_slice %arg3[%add3A, %dma_wait3A_40] : memref<32x64xi32, #tpu.memory_space<hbm>> -> memref<1x64xi32, #tpu.memory_space<hbm>>
      %dma_wait3A_42 = tpu.memref_squeeze %dma_wait3A_41 : memref<1x64xi32, #tpu.memory_space<hbm>> -> memref<64xi32, #tpu.memory_space<hbm>>
      tpu.wait_dma2 semaphore(%run_scoped3A : memref<!tpu.dma_semaphore, #tpu.memory_space<semaphore_mem>>) src(%dma_wait3A_42 : memref<64xi32, #tpu.memory_space<hbm>>) dst(%arg7 : memref<64xi32, #tpu.memory_space<vmem>>)
      tpu.yield
    }) : () -> ()
    "tpu.region"() ({
      %run_scoped3A = tpu.sem_alloc : memref<!tpu.dma_semaphore, #tpu.memory_space<semaphore_mem>>
      %dma_start3A_31 = arith.constant 0 : i32
      %dma_start3A_32 = tpu.memref_slice %arg4[%add3A, %dma_start3A_31] : memref<32x64xi32, #tpu.memory_space<hbm>> -> memref<1x64xi32, #tpu.memory_space<hbm>>
      %dma_start3A_33 = tpu.memref_squeeze %dma_start3A_32 : memref<1x64xi32, #tpu.memory_space<hbm>> -> memref<64xi32, #tpu.memory_space<hbm>>
      %dma_start3A_34 = arith.constant 0 : i32
      %dma_start3A_35 = tpu.memref_slice %arg4[%add3A, %dma_start3A_34] : memref<32x64xi32, #tpu.memory_space<hbm>> -> memref<1x64xi32, #tpu.memory_space<hbm>>
      %dma_start3A_36 = tpu.memref_squeeze %dma_start3A_35 : memref<1x64xi32, #tpu.memory_space<hbm>> -> memref<64xi32, #tpu.memory_space<hbm>>
      tpu.enqueue_dma source(%dma_start3A_36 : memref<64xi32, #tpu.memory_space<hbm>>) target(%arg8 : memref<64xi32, #tpu.memory_space<vmem>>) target_semaphore(%run_scoped3A : memref<!tpu.dma_semaphore, #tpu.memory_space<semaphore_mem>>)
      %dma_wait3A_37 = arith.constant 0 : i32
      %dma_wait3A_38 = tpu.memref_slice %arg4[%add3A, %dma_wait3A_37] : memref<32x64xi32, #tpu.memory_space<hbm>> -> memref<1x64xi32, #tpu.memory_space<hbm>>
      %dma_wait3A_39 = tpu.memref_squeeze %dma_wait3A_38 : memref<1x64xi32, #tpu.memory_space<hbm>> -> memref<64xi32, #tpu.memory_space<hbm>>
      %dma_wait3A_40 = arith.constant 0 : i32
      %dma_wait3A_41 = tpu.memref_slice %arg4[%add3A, %dma_wait3A_40] : memref<32x64xi32, #tpu.memory_space<hbm>> -> memref<1x64xi32, #tpu.memory_space<hbm>>
      %dma_wait3A_42 = tpu.memref_squeeze %dma_wait3A_41 : memref<1x64xi32, #tpu.memory_space<hbm>> -> memref<64xi32, #tpu.memory_space<hbm>>
      tpu.wait_dma2 semaphore(%run_scoped3A : memref<!tpu.dma_semaphore, #tpu.memory_space<semaphore_mem>>) src(%dma_wait3A_42 : memref<64xi32, #tpu.memory_space<hbm>>) dst(%arg8 : memref<64xi32, #tpu.memory_space<vmem>>)
      tpu.yield
    }) : () -> ()
    %dma_start3A = arith.constant 0 : i32
    %dma_start3A_1 = arith.constant 0 : i32
    %dma_start3A_2 = tpu.memref_slice %arg2[%dma_start3A, %dma_start3A_1] : memref<6144x768xf32, #tpu.memory_space<hbm>> -> memref<6144x768xf32, #tpu.memory_space<hbm>>
    tpu.enqueue_indirect_dma source(%dma_start3A_2 : memref<6144x768xf32, #tpu.memory_space<hbm>>) target(%arg9 : memref<64x768xf32, #tpu.memory_space<vmem>>) offsets(%arg7 : memref<64xi32, #tpu.memory_space<vmem>>) semaphore(%arg11 : memref<!tpu.dma_semaphore, #tpu.memory_space<semaphore_mem>>)
    %dma_start3A_3 = arith.constant 0 : i32
    %dma_start3A_4 = arith.constant 0 : i32
    %dma_start3A_5 = tpu.memref_slice %arg2[%dma_start3A_3, %dma_start3A_4] : memref<6144x768xf32, #tpu.memory_space<hbm>> -> memref<6144x768xf32, #tpu.memory_space<hbm>>
    tpu.enqueue_indirect_dma source(%dma_start3A_5 : memref<6144x768xf32, #tpu.memory_space<hbm>>) target(%arg10 : memref<64x768xf32, #tpu.memory_space<vmem>>) offsets(%arg8 : memref<64xi32, #tpu.memory_space<vmem>>) semaphore(%arg12 : memref<!tpu.dma_semaphore, #tpu.memory_space<semaphore_mem>>)
    %dma_wait3A = arith.constant 0 : i32
    %dma_wait3A_6 = arith.constant 0 : i32
    %dma_wait3A_7 = tpu.memref_slice %arg2[%dma_wait3A, %dma_wait3A_6] : memref<6144x768xf32, #tpu.memory_space<hbm>> -> memref<6144x768xf32, #tpu.memory_space<hbm>>
    tpu.wait_indirect_dma semaphore(%arg11 : memref<!tpu.dma_semaphore, #tpu.memory_space<semaphore_mem>>) src(%dma_wait3A_7 : memref<6144x768xf32, #tpu.memory_space<hbm>>) dst(%arg9 : memref<64x768xf32, #tpu.memory_space<vmem>>)
    %mul3A_8 = arith.constant 64 : i32
    %mul3A_9 = arith.muli %add3A, %mul3A_8 : i32
    %dma_start3A_10 = arith.constant 0 : i32
    %dma_start3A_11 = tpu.memref_slice %arg5[%mul3A_9, %dma_start3A_10] : memref<2048x768xf32, #tpu.memory_space<hbm>> -> memref<64x768xf32, #tpu.memory_space<hbm>>
    %dma_start3A_12 = arith.constant 0 : i32
    %dma_start3A_13 = tpu.memref_slice %arg5[%mul3A_9, %dma_start3A_12] : memref<2048x768xf32, #tpu.memory_space<hbm>> -> memref<64x768xf32, #tpu.memory_space<hbm>>
    tpu.enqueue_dma source(%arg9 : memref<64x768xf32, #tpu.memory_space<vmem>>) target(%dma_start3A_13 : memref<64x768xf32, #tpu.memory_space<hbm>>) target_semaphore(%arg13 : memref<!tpu.dma_semaphore, #tpu.memory_space<semaphore_mem>>)
    %dma_wait3A_14 = arith.constant 0 : i32
    %dma_wait3A_15 = arith.constant 0 : i32
    %dma_wait3A_16 = tpu.memref_slice %arg2[%dma_wait3A_14, %dma_wait3A_15] : memref<6144x768xf32, #tpu.memory_space<hbm>> -> memref<6144x768xf32, #tpu.memory_space<hbm>>
    tpu.wait_indirect_dma semaphore(%arg12 : memref<!tpu.dma_semaphore, #tpu.memory_space<semaphore_mem>>) src(%dma_wait3A_16 : memref<6144x768xf32, #tpu.memory_space<hbm>>) dst(%arg10 : memref<64x768xf32, #tpu.memory_space<vmem>>)
    %mul3A_17 = arith.constant 64 : i32
    %mul3A_18 = arith.muli %add3A, %mul3A_17 : i32
    %dma_start3A_19 = arith.constant 0 : i32
    %dma_start3A_20 = tpu.memref_slice %arg6[%mul3A_18, %dma_start3A_19] : memref<2048x768xf32, #tpu.memory_space<hbm>> -> memref<64x768xf32, #tpu.memory_space<hbm>>
    %dma_start3A_21 = arith.constant 0 : i32
    %dma_start3A_22 = tpu.memref_slice %arg6[%mul3A_18, %dma_start3A_21] : memref<2048x768xf32, #tpu.memory_space<hbm>> -> memref<64x768xf32, #tpu.memory_space<hbm>>
    tpu.enqueue_dma source(%arg10 : memref<64x768xf32, #tpu.memory_space<vmem>>) target(%dma_start3A_22 : memref<64x768xf32, #tpu.memory_space<hbm>>) target_semaphore(%arg14 : memref<!tpu.dma_semaphore, #tpu.memory_space<semaphore_mem>>)
    %dma_wait3A_23 = arith.constant 0 : i32
    %dma_wait3A_24 = tpu.memref_slice %arg5[%mul3A_9, %dma_wait3A_23] : memref<2048x768xf32, #tpu.memory_space<hbm>> -> memref<64x768xf32, #tpu.memory_space<hbm>>
    %dma_wait3A_25 = arith.constant 0 : i32
    %dma_wait3A_26 = tpu.memref_slice %arg5[%mul3A_9, %dma_wait3A_25] : memref<2048x768xf32, #tpu.memory_space<hbm>> -> memref<64x768xf32, #tpu.memory_space<hbm>>
    tpu.wait_dma2 semaphore(%arg13 : memref<!tpu.dma_semaphore, #tpu.memory_space<semaphore_mem>>) src(%arg9 : memref<64x768xf32, #tpu.memory_space<vmem>>) dst(%dma_wait3A_26 : memref<64x768xf32, #tpu.memory_space<hbm>>)
    %dma_wait3A_27 = arith.constant 0 : i32
    %dma_wait3A_28 = tpu.memref_slice %arg6[%mul3A_18, %dma_wait3A_27] : memref<2048x768xf32, #tpu.memory_space<hbm>> -> memref<64x768xf32, #tpu.memory_space<hbm>>
    %dma_wait3A_29 = arith.constant 0 : i32
    %dma_wait3A_30 = tpu.memref_slice %arg6[%mul3A_18, %dma_wait3A_29] : memref<2048x768xf32, #tpu.memory_space<hbm>> -> memref<64x768xf32, #tpu.memory_space<hbm>>
    tpu.wait_dma2 semaphore(%arg14 : memref<!tpu.dma_semaphore, #tpu.memory_space<semaphore_mem>>) src(%arg10 : memref<64x768xf32, #tpu.memory_space<vmem>>) dst(%dma_wait3A_30 : memref<64x768xf32, #tpu.memory_space<hbm>>)
    return
  }
}

#map = affine_map<(d0, d1) -> (0, 0)>
#map1 = affine_map<(d0, d1) -> (0, 0, 0)>
module attributes {stable_mosaic.version = 14 : i64} {
  func.func @dispatch(%arg0: i32, %arg1: i32, %arg2: memref<2048x768xf32, #tpu.memory_space<hbm>>, %arg3: memref<32x2x64xi32, #tpu.memory_space<hbm>>, %arg4: memref<32x2x64xi32, #tpu.memory_space<hbm>>, %arg5: memref<6144x768xf32, #tpu.memory_space<hbm>>, %arg6: memref<64xi32, #tpu.memory_space<vmem>>, %arg7: memref<64xi32, #tpu.memory_space<vmem>>, %arg8: memref<64xi32, #tpu.memory_space<vmem>>, %arg9: memref<64xi32, #tpu.memory_space<vmem>>, %arg10: memref<64x768xf32, #tpu.memory_space<vmem>>, %arg11: memref<64x768xf32, #tpu.memory_space<vmem>>, %arg12: memref<!tpu.dma_semaphore, #tpu.memory_space<semaphore_mem>>, %arg13: memref<!tpu.dma_semaphore, #tpu.memory_space<semaphore_mem>>, %arg14: memref<!tpu.dma_semaphore, #tpu.memory_space<semaphore_mem>>, %arg15: memref<!tpu.dma_semaphore, #tpu.memory_space<semaphore_mem>>) attributes {dimension_semantics = [#tpu.dimension_semantics<core_parallel>, #tpu.dimension_semantics<subcore_parallel>], iteration_bounds = array<i64: 2, 16>, scalar_prefetch = 0 : i64, scratch_operands = 10 : i64, tpu.core_type = #tpu.core_type<sc_vector_subcore>, window_params = [{transform_indices = #map}, {transform_indices = #map1}, {transform_indices = #map1}, {transform_indices = #map}]} {
    %mul3A = arith.constant 2 : i32
    %mul3A_0 = arith.muli %arg1, %mul3A : i32
    %add3A = arith.addi %mul3A_0, %arg0 : i32
    %run_scoped3A = arith.constant 0 : i32
    "tpu.region"() ({
      %run_scoped3A_26 = tpu.sem_alloc : memref<!tpu.dma_semaphore, #tpu.memory_space<semaphore_mem>>
      %dma_start3A_27 = arith.constant 0 : i32
      %dma_start3A_28 = tpu.memref_slice %arg3[%add3A, %run_scoped3A, %dma_start3A_27] : memref<32x2x64xi32, #tpu.memory_space<hbm>> -> memref<1x1x64xi32, #tpu.memory_space<hbm>>
      %dma_start3A_29 = tpu.memref_squeeze %dma_start3A_28 : memref<1x1x64xi32, #tpu.memory_space<hbm>> -> memref<64xi32, #tpu.memory_space<hbm>>
      %dma_start3A_30 = arith.constant 0 : i32
      %dma_start3A_31 = tpu.memref_slice %arg3[%add3A, %run_scoped3A, %dma_start3A_30] : memref<32x2x64xi32, #tpu.memory_space<hbm>> -> memref<1x1x64xi32, #tpu.memory_space<hbm>>
      %dma_start3A_32 = tpu.memref_squeeze %dma_start3A_31 : memref<1x1x64xi32, #tpu.memory_space<hbm>> -> memref<64xi32, #tpu.memory_space<hbm>>
      tpu.enqueue_dma source(%dma_start3A_32 : memref<64xi32, #tpu.memory_space<hbm>>) target(%arg6 : memref<64xi32, #tpu.memory_space<vmem>>) target_semaphore(%run_scoped3A_26 : memref<!tpu.dma_semaphore, #tpu.memory_space<semaphore_mem>>)
      %dma_wait3A_33 = arith.constant 0 : i32
      %dma_wait3A_34 = tpu.memref_slice %arg3[%add3A, %run_scoped3A, %dma_wait3A_33] : memref<32x2x64xi32, #tpu.memory_space<hbm>> -> memref<1x1x64xi32, #tpu.memory_space<hbm>>
      %dma_wait3A_35 = tpu.memref_squeeze %dma_wait3A_34 : memref<1x1x64xi32, #tpu.memory_space<hbm>> -> memref<64xi32, #tpu.memory_space<hbm>>
      %dma_wait3A_36 = arith.constant 0 : i32
      %dma_wait3A_37 = tpu.memref_slice %arg3[%add3A, %run_scoped3A, %dma_wait3A_36] : memref<32x2x64xi32, #tpu.memory_space<hbm>> -> memref<1x1x64xi32, #tpu.memory_space<hbm>>
      %dma_wait3A_38 = tpu.memref_squeeze %dma_wait3A_37 : memref<1x1x64xi32, #tpu.memory_space<hbm>> -> memref<64xi32, #tpu.memory_space<hbm>>
      tpu.wait_dma2 semaphore(%run_scoped3A_26 : memref<!tpu.dma_semaphore, #tpu.memory_space<semaphore_mem>>) src(%dma_wait3A_38 : memref<64xi32, #tpu.memory_space<hbm>>) dst(%arg6 : memref<64xi32, #tpu.memory_space<vmem>>)
      tpu.yield
    }) : () -> ()
    %run_scoped3A_1 = arith.constant 1 : i32
    "tpu.region"() ({
      %run_scoped3A_26 = tpu.sem_alloc : memref<!tpu.dma_semaphore, #tpu.memory_space<semaphore_mem>>
      %dma_start3A_27 = arith.constant 0 : i32
      %dma_start3A_28 = tpu.memref_slice %arg3[%add3A, %run_scoped3A_1, %dma_start3A_27] : memref<32x2x64xi32, #tpu.memory_space<hbm>> -> memref<1x1x64xi32, #tpu.memory_space<hbm>>
      %dma_start3A_29 = tpu.memref_squeeze %dma_start3A_28 : memref<1x1x64xi32, #tpu.memory_space<hbm>> -> memref<64xi32, #tpu.memory_space<hbm>>
      %dma_start3A_30 = arith.constant 0 : i32
      %dma_start3A_31 = tpu.memref_slice %arg3[%add3A, %run_scoped3A_1, %dma_start3A_30] : memref<32x2x64xi32, #tpu.memory_space<hbm>> -> memref<1x1x64xi32, #tpu.memory_space<hbm>>
      %dma_start3A_32 = tpu.memref_squeeze %dma_start3A_31 : memref<1x1x64xi32, #tpu.memory_space<hbm>> -> memref<64xi32, #tpu.memory_space<hbm>>
      tpu.enqueue_dma source(%dma_start3A_32 : memref<64xi32, #tpu.memory_space<hbm>>) target(%arg7 : memref<64xi32, #tpu.memory_space<vmem>>) target_semaphore(%run_scoped3A_26 : memref<!tpu.dma_semaphore, #tpu.memory_space<semaphore_mem>>)
      %dma_wait3A_33 = arith.constant 0 : i32
      %dma_wait3A_34 = tpu.memref_slice %arg3[%add3A, %run_scoped3A_1, %dma_wait3A_33] : memref<32x2x64xi32, #tpu.memory_space<hbm>> -> memref<1x1x64xi32, #tpu.memory_space<hbm>>
      %dma_wait3A_35 = tpu.memref_squeeze %dma_wait3A_34 : memref<1x1x64xi32, #tpu.memory_space<hbm>> -> memref<64xi32, #tpu.memory_space<hbm>>
      %dma_wait3A_36 = arith.constant 0 : i32
      %dma_wait3A_37 = tpu.memref_slice %arg3[%add3A, %run_scoped3A_1, %dma_wait3A_36] : memref<32x2x64xi32, #tpu.memory_space<hbm>> -> memref<1x1x64xi32, #tpu.memory_space<hbm>>
      %dma_wait3A_38 = tpu.memref_squeeze %dma_wait3A_37 : memref<1x1x64xi32, #tpu.memory_space<hbm>> -> memref<64xi32, #tpu.memory_space<hbm>>
      tpu.wait_dma2 semaphore(%run_scoped3A_26 : memref<!tpu.dma_semaphore, #tpu.memory_space<semaphore_mem>>) src(%dma_wait3A_38 : memref<64xi32, #tpu.memory_space<hbm>>) dst(%arg7 : memref<64xi32, #tpu.memory_space<vmem>>)
      tpu.yield
    }) : () -> ()
    %run_scoped3A_2 = arith.constant 0 : i32
    "tpu.region"() ({
      %run_scoped3A_26 = tpu.sem_alloc : memref<!tpu.dma_semaphore, #tpu.memory_space<semaphore_mem>>
      %dma_start3A_27 = arith.constant 0 : i32
      %dma_start3A_28 = tpu.memref_slice %arg4[%add3A, %run_scoped3A_2, %dma_start3A_27] : memref<32x2x64xi32, #tpu.memory_space<hbm>> -> memref<1x1x64xi32, #tpu.memory_space<hbm>>
      %dma_start3A_29 = tpu.memref_squeeze %dma_start3A_28 : memref<1x1x64xi32, #tpu.memory_space<hbm>> -> memref<64xi32, #tpu.memory_space<hbm>>
      %dma_start3A_30 = arith.constant 0 : i32
      %dma_start3A_31 = tpu.memref_slice %arg4[%add3A, %run_scoped3A_2, %dma_start3A_30] : memref<32x2x64xi32, #tpu.memory_space<hbm>> -> memref<1x1x64xi32, #tpu.memory_space<hbm>>
      %dma_start3A_32 = tpu.memref_squeeze %dma_start3A_31 : memref<1x1x64xi32, #tpu.memory_space<hbm>> -> memref<64xi32, #tpu.memory_space<hbm>>
      tpu.enqueue_dma source(%dma_start3A_32 : memref<64xi32, #tpu.memory_space<hbm>>) target(%arg8 : memref<64xi32, #tpu.memory_space<vmem>>) target_semaphore(%run_scoped3A_26 : memref<!tpu.dma_semaphore, #tpu.memory_space<semaphore_mem>>)
      %dma_wait3A_33 = arith.constant 0 : i32
      %dma_wait3A_34 = tpu.memref_slice %arg4[%add3A, %run_scoped3A_2, %dma_wait3A_33] : memref<32x2x64xi32, #tpu.memory_space<hbm>> -> memref<1x1x64xi32, #tpu.memory_space<hbm>>
      %dma_wait3A_35 = tpu.memref_squeeze %dma_wait3A_34 : memref<1x1x64xi32, #tpu.memory_space<hbm>> -> memref<64xi32, #tpu.memory_space<hbm>>
      %dma_wait3A_36 = arith.constant 0 : i32
      %dma_wait3A_37 = tpu.memref_slice %arg4[%add3A, %run_scoped3A_2, %dma_wait3A_36] : memref<32x2x64xi32, #tpu.memory_space<hbm>> -> memref<1x1x64xi32, #tpu.memory_space<hbm>>
      %dma_wait3A_38 = tpu.memref_squeeze %dma_wait3A_37 : memref<1x1x64xi32, #tpu.memory_space<hbm>> -> memref<64xi32, #tpu.memory_space<hbm>>
      tpu.wait_dma2 semaphore(%run_scoped3A_26 : memref<!tpu.dma_semaphore, #tpu.memory_space<semaphore_mem>>) src(%dma_wait3A_38 : memref<64xi32, #tpu.memory_space<hbm>>) dst(%arg8 : memref<64xi32, #tpu.memory_space<vmem>>)
      tpu.yield
    }) : () -> ()
    %run_scoped3A_3 = arith.constant 1 : i32
    "tpu.region"() ({
      %run_scoped3A_26 = tpu.sem_alloc : memref<!tpu.dma_semaphore, #tpu.memory_space<semaphore_mem>>
      %dma_start3A_27 = arith.constant 0 : i32
      %dma_start3A_28 = tpu.memref_slice %arg4[%add3A, %run_scoped3A_3, %dma_start3A_27] : memref<32x2x64xi32, #tpu.memory_space<hbm>> -> memref<1x1x64xi32, #tpu.memory_space<hbm>>
      %dma_start3A_29 = tpu.memref_squeeze %dma_start3A_28 : memref<1x1x64xi32, #tpu.memory_space<hbm>> -> memref<64xi32, #tpu.memory_space<hbm>>
      %dma_start3A_30 = arith.constant 0 : i32
      %dma_start3A_31 = tpu.memref_slice %arg4[%add3A, %run_scoped3A_3, %dma_start3A_30] : memref<32x2x64xi32, #tpu.memory_space<hbm>> -> memref<1x1x64xi32, #tpu.memory_space<hbm>>
      %dma_start3A_32 = tpu.memref_squeeze %dma_start3A_31 : memref<1x1x64xi32, #tpu.memory_space<hbm>> -> memref<64xi32, #tpu.memory_space<hbm>>
      tpu.enqueue_dma source(%dma_start3A_32 : memref<64xi32, #tpu.memory_space<hbm>>) target(%arg9 : memref<64xi32, #tpu.memory_space<vmem>>) target_semaphore(%run_scoped3A_26 : memref<!tpu.dma_semaphore, #tpu.memory_space<semaphore_mem>>)
      %dma_wait3A_33 = arith.constant 0 : i32
      %dma_wait3A_34 = tpu.memref_slice %arg4[%add3A, %run_scoped3A_3, %dma_wait3A_33] : memref<32x2x64xi32, #tpu.memory_space<hbm>> -> memref<1x1x64xi32, #tpu.memory_space<hbm>>
      %dma_wait3A_35 = tpu.memref_squeeze %dma_wait3A_34 : memref<1x1x64xi32, #tpu.memory_space<hbm>> -> memref<64xi32, #tpu.memory_space<hbm>>
      %dma_wait3A_36 = arith.constant 0 : i32
      %dma_wait3A_37 = tpu.memref_slice %arg4[%add3A, %run_scoped3A_3, %dma_wait3A_36] : memref<32x2x64xi32, #tpu.memory_space<hbm>> -> memref<1x1x64xi32, #tpu.memory_space<hbm>>
      %dma_wait3A_38 = tpu.memref_squeeze %dma_wait3A_37 : memref<1x1x64xi32, #tpu.memory_space<hbm>> -> memref<64xi32, #tpu.memory_space<hbm>>
      tpu.wait_dma2 semaphore(%run_scoped3A_26 : memref<!tpu.dma_semaphore, #tpu.memory_space<semaphore_mem>>) src(%dma_wait3A_38 : memref<64xi32, #tpu.memory_space<hbm>>) dst(%arg9 : memref<64xi32, #tpu.memory_space<vmem>>)
      tpu.yield
    }) : () -> ()
    %dma_start3A = arith.constant 0 : i32
    %dma_start3A_4 = arith.constant 0 : i32
    %dma_start3A_5 = tpu.memref_slice %arg2[%dma_start3A, %dma_start3A_4] : memref<2048x768xf32, #tpu.memory_space<hbm>> -> memref<2048x768xf32, #tpu.memory_space<hbm>>
    tpu.enqueue_indirect_dma source(%dma_start3A_5 : memref<2048x768xf32, #tpu.memory_space<hbm>>) target(%arg10 : memref<64x768xf32, #tpu.memory_space<vmem>>) offsets(%arg6 : memref<64xi32, #tpu.memory_space<vmem>>) semaphore(%arg12 : memref<!tpu.dma_semaphore, #tpu.memory_space<semaphore_mem>>)
    %dma_start3A_6 = arith.constant 0 : i32
    %dma_start3A_7 = arith.constant 0 : i32
    %dma_start3A_8 = tpu.memref_slice %arg2[%dma_start3A_6, %dma_start3A_7] : memref<2048x768xf32, #tpu.memory_space<hbm>> -> memref<2048x768xf32, #tpu.memory_space<hbm>>
    tpu.enqueue_indirect_dma source(%dma_start3A_8 : memref<2048x768xf32, #tpu.memory_space<hbm>>) target(%arg11 : memref<64x768xf32, #tpu.memory_space<vmem>>) offsets(%arg7 : memref<64xi32, #tpu.memory_space<vmem>>) semaphore(%arg13 : memref<!tpu.dma_semaphore, #tpu.memory_space<semaphore_mem>>)
    %dma_wait3A = arith.constant 0 : i32
    %dma_wait3A_9 = arith.constant 0 : i32
    %dma_wait3A_10 = tpu.memref_slice %arg2[%dma_wait3A, %dma_wait3A_9] : memref<2048x768xf32, #tpu.memory_space<hbm>> -> memref<2048x768xf32, #tpu.memory_space<hbm>>
    tpu.wait_indirect_dma semaphore(%arg12 : memref<!tpu.dma_semaphore, #tpu.memory_space<semaphore_mem>>) src(%dma_wait3A_10 : memref<2048x768xf32, #tpu.memory_space<hbm>>) dst(%arg10 : memref<64x768xf32, #tpu.memory_space<vmem>>)
    %dma_start3A_11 = arith.constant 0 : i32
    %dma_start3A_12 = arith.constant 0 : i32
    %dma_start3A_13 = tpu.memref_slice %arg5[%dma_start3A_11, %dma_start3A_12] : memref<6144x768xf32, #tpu.memory_space<hbm>> -> memref<6144x768xf32, #tpu.memory_space<hbm>>
    tpu.enqueue_indirect_dma source(%arg10 : memref<64x768xf32, #tpu.memory_space<vmem>>) target(%dma_start3A_13 : memref<6144x768xf32, #tpu.memory_space<hbm>>) offsets(%arg8 : memref<64xi32, #tpu.memory_space<vmem>>) semaphore(%arg14 : memref<!tpu.dma_semaphore, #tpu.memory_space<semaphore_mem>>)
    %dma_wait3A_14 = arith.constant 0 : i32
    %dma_wait3A_15 = arith.constant 0 : i32
    %dma_wait3A_16 = tpu.memref_slice %arg2[%dma_wait3A_14, %dma_wait3A_15] : memref<2048x768xf32, #tpu.memory_space<hbm>> -> memref<2048x768xf32, #tpu.memory_space<hbm>>
    tpu.wait_indirect_dma semaphore(%arg13 : memref<!tpu.dma_semaphore, #tpu.memory_space<semaphore_mem>>) src(%dma_wait3A_16 : memref<2048x768xf32, #tpu.memory_space<hbm>>) dst(%arg11 : memref<64x768xf32, #tpu.memory_space<vmem>>)
    %dma_start3A_17 = arith.constant 0 : i32
    %dma_start3A_18 = arith.constant 0 : i32
    %dma_start3A_19 = tpu.memref_slice %arg5[%dma_start3A_17, %dma_start3A_18] : memref<6144x768xf32, #tpu.memory_space<hbm>> -> memref<6144x768xf32, #tpu.memory_space<hbm>>
    tpu.enqueue_indirect_dma source(%arg11 : memref<64x768xf32, #tpu.memory_space<vmem>>) target(%dma_start3A_19 : memref<6144x768xf32, #tpu.memory_space<hbm>>) offsets(%arg9 : memref<64xi32, #tpu.memory_space<vmem>>) semaphore(%arg15 : memref<!tpu.dma_semaphore, #tpu.memory_space<semaphore_mem>>)
    %dma_wait3A_20 = arith.constant 0 : i32
    %dma_wait3A_21 = arith.constant 0 : i32
    %dma_wait3A_22 = tpu.memref_slice %arg5[%dma_wait3A_20, %dma_wait3A_21] : memref<6144x768xf32, #tpu.memory_space<hbm>> -> memref<6144x768xf32, #tpu.memory_space<hbm>>
    tpu.wait_indirect_dma semaphore(%arg14 : memref<!tpu.dma_semaphore, #tpu.memory_space<semaphore_mem>>) src(%arg10 : memref<64x768xf32, #tpu.memory_space<vmem>>) dst(%dma_wait3A_22 : memref<6144x768xf32, #tpu.memory_space<hbm>>)
    %dma_wait3A_23 = arith.constant 0 : i32
    %dma_wait3A_24 = arith.constant 0 : i32
    %dma_wait3A_25 = tpu.memref_slice %arg5[%dma_wait3A_23, %dma_wait3A_24] : memref<6144x768xf32, #tpu.memory_space<hbm>> -> memref<6144x768xf32, #tpu.memory_space<hbm>>
    tpu.wait_indirect_dma semaphore(%arg15 : memref<!tpu.dma_semaphore, #tpu.memory_space<semaphore_mem>>) src(%arg11 : memref<64x768xf32, #tpu.memory_space<vmem>>) dst(%dma_wait3A_25 : memref<6144x768xf32, #tpu.memory_space<hbm>>)
    return
  }
}

module attributes {stable_mosaic.version = 14 : i64} {
  func.func @_meta_body(%arg0: memref<4096x1xi32, #tpu.memory_space<vmem>>, %arg1: memref<2048x2xi32, #tpu.memory_space<vmem>>, %arg2: memref<2048x2xf32, #tpu.memory_space<vmem>>, %arg3: memref<4096x1xi32, #tpu.memory_space<vmem>>, %arg4: memref<24x1xi32, #tpu.memory_space<vmem>>, %arg5: memref<2048x8xf32, #tpu.memory_space<vmem>>, %arg6: memref<4096x8xf32, #tpu.memory_space<vmem>>) attributes {dimension_semantics = [], scalar_prefetch = 0 : i64, scratch_operands = 1 : i64, tpu.core_type = #tpu.core_type<tc>} {
    %iota3A = tpu.iota {dimensions = array<i32: 1>} : vector<4096x8xi32>
    %get3A = arith.constant 0 : index
    %get3A_0 = arith.constant 0 : index
    %get3A_1 = vector.load %arg0[%get3A, %get3A_0] : memref<4096x1xi32, #tpu.memory_space<vmem>>, vector<4096x1xi32>
    %eq3A = vector.broadcast %get3A_1 : vector<4096x1xi32> to vector<4096x8xi32>
    %eq3A_2 = arith.cmpi eq, %eq3A, %iota3A : vector<4096x8xi32>
    %convert_element_type3A = arith.extui %eq3A_2 : vector<4096x8xi1> to vector<4096x8xi32>
    %convert_element_type3A_3 = arith.sitofp %convert_element_type3A : vector<4096x8xi32> to vector<4096x8xf32>
    %iota3A_4 = tpu.iota {dimensions = array<i32: 0>} : vector<512x512xi32>
    %iota3A_5 = tpu.iota {dimensions = array<i32: 1>} : vector<512x512xi32>
    %gt3A = arith.cmpi sgt, %iota3A_4, %iota3A_5 : vector<512x512xi32>
    %convert_element_type3A_6 = arith.extui %gt3A : vector<512x512xi1> to vector<512x512xi32>
    %convert_element_type3A_7 = arith.sitofp %convert_element_type3A_6 : vector<512x512xi32> to vector<512x512xf32>
    %broadcast_in_dim3A = arith.constant 0.000000e+00 : f32
    %broadcast_in_dim3A_8 = vector.broadcast %broadcast_in_dim3A : f32 to vector<1x8xf32>
    %slice3A = vector.extract_strided_slice %convert_element_type3A_3 {offsets = [0, 0], sizes = [512, 8], strides = [1, 1]} : vector<4096x8xf32> to vector<512x8xf32>
    %dot_general3A = arith.constant dense<0.000000e+00> : vector<512x8xf32>
    %dot_general3A_9 = tpu.matmul %convert_element_type3A_7, %slice3A, %dot_general3A {dimension_numbers = #tpu.dot_dimension_numbers<[1], [0], [0], [1], [0, 0, 1, 1], [], []>, transpose_lhs_hint = false} : vector<512x512xf32>, vector<512x8xf32>, vector<512x8xf32> -> vector<512x8xf32>
    %add3A = vector.broadcast %broadcast_in_dim3A_8 : vector<1x8xf32> to vector<512x8xf32>
    %add3A_10 = arith.addf %dot_general3A_9, %add3A : vector<512x8xf32>
    %swap3A = arith.constant 0 : index
    %swap3A_11 = arith.constant 0 : index
    %swap3A_12 = vector.load %arg6[%swap3A, %swap3A_11] : memref<4096x8xf32, #tpu.memory_space<vmem>>, vector<512x8xf32>
    tpu.vector_store %arg6[%swap3A, %swap3A_11], %add3A_10 {strides = array<i32>} : memref<4096x8xf32, #tpu.memory_space<vmem>>, vector<512x8xf32>,
    %reduce_sum3A = arith.constant dense<0.000000e+00> : vector<8xf32>
    %reduce_sum3A_13 = vector.multi_reduction <add>, %slice3A, %reduce_sum3A [0] : vector<512x8xf32> to vector<8xf32>
    %broadcast_in_dim3A_14 = vector.shape_cast %reduce_sum3A_13 : vector<8xf32> to vector<1x8xf32>
    %add3A_15 = arith.addf %broadcast_in_dim3A_8, %broadcast_in_dim3A_14 : vector<1x8xf32>
    %slice3A_16 = vector.extract_strided_slice %convert_element_type3A_3 {offsets = [512, 0], sizes = [512, 8], strides = [1, 1]} : vector<4096x8xf32> to vector<512x8xf32>
    %dot_general3A_17 = arith.constant dense<0.000000e+00> : vector<512x8xf32>
    %dot_general3A_18 = tpu.matmul %convert_element_type3A_7, %slice3A_16, %dot_general3A_17 {dimension_numbers = #tpu.dot_dimension_numbers<[1], [0], [0], [1], [0, 0, 1, 1], [], []>, transpose_lhs_hint = false} : vector<512x512xf32>, vector<512x8xf32>, vector<512x8xf32> -> vector<512x8xf32>
    %add3A_19 = vector.broadcast %add3A_15 : vector<1x8xf32> to vector<512x8xf32>
    %add3A_20 = arith.addf %dot_general3A_18, %add3A_19 : vector<512x8xf32>
    %swap3A_21 = arith.constant 512 : index
    %swap3A_22 = arith.constant 0 : index
    %swap3A_23 = vector.load %arg6[%swap3A_21, %swap3A_22] : memref<4096x8xf32, #tpu.memory_space<vmem>>, vector<512x8xf32>
    tpu.vector_store %arg6[%swap3A_21, %swap3A_22], %add3A_20 {strides = array<i32>} : memref<4096x8xf32, #tpu.memory_space<vmem>>, vector<512x8xf32>,
    %reduce_sum3A_24 = arith.constant dense<0.000000e+00> : vector<8xf32>
    %reduce_sum3A_25 = vector.multi_reduction <add>, %slice3A_16, %reduce_sum3A_24 [0] : vector<512x8xf32> to vector<8xf32>
    %broadcast_in_dim3A_26 = vector.shape_cast %reduce_sum3A_25 : vector<8xf32> to vector<1x8xf32>
    %add3A_27 = arith.addf %add3A_15, %broadcast_in_dim3A_26 : vector<1x8xf32>
    %slice3A_28 = vector.extract_strided_slice %convert_element_type3A_3 {offsets = [1024, 0], sizes = [512, 8], strides = [1, 1]} : vector<4096x8xf32> to vector<512x8xf32>
    %dot_general3A_29 = arith.constant dense<0.000000e+00> : vector<512x8xf32>
    %dot_general3A_30 = tpu.matmul %convert_element_type3A_7, %slice3A_28, %dot_general3A_29 {dimension_numbers = #tpu.dot_dimension_numbers<[1], [0], [0], [1], [0, 0, 1, 1], [], []>, transpose_lhs_hint = false} : vector<512x512xf32>, vector<512x8xf32>, vector<512x8xf32> -> vector<512x8xf32>
    %add3A_31 = vector.broadcast %add3A_27 : vector<1x8xf32> to vector<512x8xf32>
    %add3A_32 = arith.addf %dot_general3A_30, %add3A_31 : vector<512x8xf32>
    %swap3A_33 = arith.constant 1024 : index
    %swap3A_34 = arith.constant 0 : index
    %swap3A_35 = vector.load %arg6[%swap3A_33, %swap3A_34] : memref<4096x8xf32, #tpu.memory_space<vmem>>, vector<512x8xf32>
    tpu.vector_store %arg6[%swap3A_33, %swap3A_34], %add3A_32 {strides = array<i32>} : memref<4096x8xf32, #tpu.memory_space<vmem>>, vector<512x8xf32>,
    %reduce_sum3A_36 = arith.constant dense<0.000000e+00> : vector<8xf32>
    %reduce_sum3A_37 = vector.multi_reduction <add>, %slice3A_28, %reduce_sum3A_36 [0] : vector<512x8xf32> to vector<8xf32>
    %broadcast_in_dim3A_38 = vector.shape_cast %reduce_sum3A_37 : vector<8xf32> to vector<1x8xf32>
    %add3A_39 = arith.addf %add3A_27, %broadcast_in_dim3A_38 : vector<1x8xf32>
    %slice3A_40 = vector.extract_strided_slice %convert_element_type3A_3 {offsets = [1536, 0], sizes = [512, 8], strides = [1, 1]} : vector<4096x8xf32> to vector<512x8xf32>
    %dot_general3A_41 = arith.constant dense<0.000000e+00> : vector<512x8xf32>
    %dot_general3A_42 = tpu.matmul %convert_element_type3A_7, %slice3A_40, %dot_general3A_41 {dimension_numbers = #tpu.dot_dimension_numbers<[1], [0], [0], [1], [0, 0, 1, 1], [], []>, transpose_lhs_hint = false} : vector<512x512xf32>, vector<512x8xf32>, vector<512x8xf32> -> vector<512x8xf32>
    %add3A_43 = vector.broadcast %add3A_39 : vector<1x8xf32> to vector<512x8xf32>
    %add3A_44 = arith.addf %dot_general3A_42, %add3A_43 : vector<512x8xf32>
    %swap3A_45 = arith.constant 1536 : index
    %swap3A_46 = arith.constant 0 : index
    %swap3A_47 = vector.load %arg6[%swap3A_45, %swap3A_46] : memref<4096x8xf32, #tpu.memory_space<vmem>>, vector<512x8xf32>
    tpu.vector_store %arg6[%swap3A_45, %swap3A_46], %add3A_44 {strides = array<i32>} : memref<4096x8xf32, #tpu.memory_space<vmem>>, vector<512x8xf32>,
    %reduce_sum3A_48 = arith.constant dense<0.000000e+00> : vector<8xf32>
    %reduce_sum3A_49 = vector.multi_reduction <add>, %slice3A_40, %reduce_sum3A_48 [0] : vector<512x8xf32> to vector<8xf32>
    %broadcast_in_dim3A_50 = vector.shape_cast %reduce_sum3A_49 : vector<8xf32> to vector<1x8xf32>
    %add3A_51 = arith.addf %add3A_39, %broadcast_in_dim3A_50 : vector<1x8xf32>
    %slice3A_52 = vector.extract_strided_slice %convert_element_type3A_3 {offsets = [2048, 0], sizes = [512, 8], strides = [1, 1]} : vector<4096x8xf32> to vector<512x8xf32>
    %dot_general3A_53 = arith.constant dense<0.000000e+00> : vector<512x8xf32>
    %dot_general3A_54 = tpu.matmul %convert_element_type3A_7, %slice3A_52, %dot_general3A_53 {dimension_numbers = #tpu.dot_dimension_numbers<[1], [0], [0], [1], [0, 0, 1, 1], [], []>, transpose_lhs_hint = false} : vector<512x512xf32>, vector<512x8xf32>, vector<512x8xf32> -> vector<512x8xf32>
    %add3A_55 = vector.broadcast %add3A_51 : vector<1x8xf32> to vector<512x8xf32>
    %add3A_56 = arith.addf %dot_general3A_54, %add3A_55 : vector<512x8xf32>
    %swap3A_57 = arith.constant 2048 : index
    %swap3A_58 = arith.constant 0 : index
    %swap3A_59 = vector.load %arg6[%swap3A_57, %swap3A_58] : memref<4096x8xf32, #tpu.memory_space<vmem>>, vector<512x8xf32>
    tpu.vector_store %arg6[%swap3A_57, %swap3A_58], %add3A_56 {strides = array<i32>} : memref<4096x8xf32, #tpu.memory_space<vmem>>, vector<512x8xf32>,
    %reduce_sum3A_60 = arith.constant dense<0.000000e+00> : vector<8xf32>
    %reduce_sum3A_61 = vector.multi_reduction <add>, %slice3A_52, %reduce_sum3A_60 [0] : vector<512x8xf32> to vector<8xf32>
    %broadcast_in_dim3A_62 = vector.shape_cast %reduce_sum3A_61 : vector<8xf32> to vector<1x8xf32>
    %add3A_63 = arith.addf %add3A_51, %broadcast_in_dim3A_62 : vector<1x8xf32>
    %slice3A_64 = vector.extract_strided_slice %convert_element_type3A_3 {offsets = [2560, 0], sizes = [512, 8], strides = [1, 1]} : vector<4096x8xf32> to vector<512x8xf32>
    %dot_general3A_65 = arith.constant dense<0.000000e+00> : vector<512x8xf32>
    %dot_general3A_66 = tpu.matmul %convert_element_type3A_7, %slice3A_64, %dot_general3A_65 {dimension_numbers = #tpu.dot_dimension_numbers<[1], [0], [0], [1], [0, 0, 1, 1], [], []>, transpose_lhs_hint = false} : vector<512x512xf32>, vector<512x8xf32>, vector<512x8xf32> -> vector<512x8xf32>
    %add3A_67 = vector.broadcast %add3A_63 : vector<1x8xf32> to vector<512x8xf32>
    %add3A_68 = arith.addf %dot_general3A_66, %add3A_67 : vector<512x8xf32>
    %swap3A_69 = arith.constant 2560 : index
    %swap3A_70 = arith.constant 0 : index
    %swap3A_71 = vector.load %arg6[%swap3A_69, %swap3A_70] : memref<4096x8xf32, #tpu.memory_space<vmem>>, vector<512x8xf32>
    tpu.vector_store %arg6[%swap3A_69, %swap3A_70], %add3A_68 {strides = array<i32>} : memref<4096x8xf32, #tpu.memory_space<vmem>>, vector<512x8xf32>,
    %reduce_sum3A_72 = arith.constant dense<0.000000e+00> : vector<8xf32>
    %reduce_sum3A_73 = vector.multi_reduction <add>, %slice3A_64, %reduce_sum3A_72 [0] : vector<512x8xf32> to vector<8xf32>
    %broadcast_in_dim3A_74 = vector.shape_cast %reduce_sum3A_73 : vector<8xf32> to vector<1x8xf32>
    %add3A_75 = arith.addf %add3A_63, %broadcast_in_dim3A_74 : vector<1x8xf32>
    %slice3A_76 = vector.extract_strided_slice %convert_element_type3A_3 {offsets = [3072, 0], sizes = [512, 8], strides = [1, 1]} : vector<4096x8xf32> to vector<512x8xf32>
    %dot_general3A_77 = arith.constant dense<0.000000e+00> : vector<512x8xf32>
    %dot_general3A_78 = tpu.matmul %convert_element_type3A_7, %slice3A_76, %dot_general3A_77 {dimension_numbers = #tpu.dot_dimension_numbers<[1], [0], [0], [1], [0, 0, 1, 1], [], []>, transpose_lhs_hint = false} : vector<512x512xf32>, vector<512x8xf32>, vector<512x8xf32> -> vector<512x8xf32>
    %add3A_79 = vector.broadcast %add3A_75 : vector<1x8xf32> to vector<512x8xf32>
    %add3A_80 = arith.addf %dot_general3A_78, %add3A_79 : vector<512x8xf32>
    %swap3A_81 = arith.constant 3072 : index
    %swap3A_82 = arith.constant 0 : index
    %swap3A_83 = vector.load %arg6[%swap3A_81, %swap3A_82] : memref<4096x8xf32, #tpu.memory_space<vmem>>, vector<512x8xf32>
    tpu.vector_store %arg6[%swap3A_81, %swap3A_82], %add3A_80 {strides = array<i32>} : memref<4096x8xf32, #tpu.memory_space<vmem>>, vector<512x8xf32>,
    %reduce_sum3A_84 = arith.constant dense<0.000000e+00> : vector<8xf32>
    %reduce_sum3A_85 = vector.multi_reduction <add>, %slice3A_76, %reduce_sum3A_84 [0] : vector<512x8xf32> to vector<8xf32>
    %broadcast_in_dim3A_86 = vector.shape_cast %reduce_sum3A_85 : vector<8xf32> to vector<1x8xf32>
    %add3A_87 = arith.addf %add3A_75, %broadcast_in_dim3A_86 : vector<1x8xf32>
    %slice3A_88 = vector.extract_strided_slice %convert_element_type3A_3 {offsets = [3584, 0], sizes = [512, 8], strides = [1, 1]} : vector<4096x8xf32> to vector<512x8xf32>
    %dot_general3A_89 = arith.constant dense<0.000000e+00> : vector<512x8xf32>
    %dot_general3A_90 = tpu.matmul %convert_element_type3A_7, %slice3A_88, %dot_general3A_89 {dimension_numbers = #tpu.dot_dimension_numbers<[1], [0], [0], [1], [0, 0, 1, 1], [], []>, transpose_lhs_hint = false} : vector<512x512xf32>, vector<512x8xf32>, vector<512x8xf32> -> vector<512x8xf32>
    %add3A_91 = vector.broadcast %add3A_87 : vector<1x8xf32> to vector<512x8xf32>
    %add3A_92 = arith.addf %dot_general3A_90, %add3A_91 : vector<512x8xf32>
    %swap3A_93 = arith.constant 3584 : index
    %swap3A_94 = arith.constant 0 : index
    %swap3A_95 = vector.load %arg6[%swap3A_93, %swap3A_94] : memref<4096x8xf32, #tpu.memory_space<vmem>>, vector<512x8xf32>
    tpu.vector_store %arg6[%swap3A_93, %swap3A_94], %add3A_92 {strides = array<i32>} : memref<4096x8xf32, #tpu.memory_space<vmem>>, vector<512x8xf32>,
    %reduce_sum3A_96 = arith.constant dense<0.000000e+00> : vector<8xf32>
    %reduce_sum3A_97 = vector.multi_reduction <add>, %slice3A_88, %reduce_sum3A_96 [0] : vector<512x8xf32> to vector<8xf32>
    %broadcast_in_dim3A_98 = vector.shape_cast %reduce_sum3A_97 : vector<8xf32> to vector<1x8xf32>
    %add3A_99 = arith.addf %add3A_87, %broadcast_in_dim3A_98 : vector<1x8xf32>
    %add3A_100 = arith.constant 2.550000e+02 : f32
    %add3A_101 = vector.broadcast %add3A_100 : f32 to vector<1x8xf32>
    %add3A_102 = arith.addf %add3A_99, %add3A_101 : vector<1x8xf32>
    %mul3A = arith.constant 3.906250e-03 : f32
    %mul3A_103 = vector.broadcast %mul3A : f32 to vector<1x8xf32>
    %mul3A_104 = arith.mulf %add3A_102, %mul3A_103 : vector<1x8xf32>
    %floor3A = math.floor %mul3A_104 : vector<1x8xf32>
    %mul3A_105 = arith.constant 2.560000e+02 : f32
    %mul3A_106 = vector.broadcast %mul3A_105 : f32 to vector<1x8xf32>
    %mul3A_107 = arith.mulf %floor3A, %mul3A_106 : vector<1x8xf32>
    %iota3A_108 = tpu.iota {dimensions = array<i32: 0>} : vector<8x8xi32>
    %iota3A_109 = tpu.iota {dimensions = array<i32: 1>} : vector<8x8xi32>
    %lt3A = arith.cmpi slt, %iota3A_108, %iota3A_109 : vector<8x8xi32>
    %convert_element_type3A_110 = arith.extui %lt3A : vector<8x8xi1> to vector<8x8xi32>
    %convert_element_type3A_111 = arith.sitofp %convert_element_type3A_110 : vector<8x8xi32> to vector<8x8xf32>
    %dot_general3A_112 = arith.constant dense<0.000000e+00> : vector<1x8xf32>
    %dot_general3A_113 = tpu.matmul %mul3A_107, %convert_element_type3A_111, %dot_general3A_112 {dimension_numbers = #tpu.dot_dimension_numbers<[1], [0], [0], [1], [0, 0, 1, 1], [], []>, transpose_lhs_hint = false} : vector<1x8xf32>, vector<8x8xf32>, vector<1x8xf32> -> vector<1x8xf32>
    %get3A_114 = arith.constant 0 : index
    %get3A_115 = arith.constant 0 : index
    %get3A_116 = vector.load %arg6[%get3A_114, %get3A_115] : memref<4096x8xf32, #tpu.memory_space<vmem>>, vector<4096x8xf32>
    %add3A_117 = vector.broadcast %dot_general3A_113 : vector<1x8xf32> to vector<4096x8xf32>
    %add3A_118 = arith.addf %get3A_116, %add3A_117 : vector<4096x8xf32>
    %mul3A_119 = arith.mulf %add3A_118, %convert_element_type3A_3 : vector<4096x8xf32>
    %reduce_sum3A_120 = arith.constant dense<0.000000e+00> : vector<4096xf32>
    %reduce_sum3A_121 = vector.multi_reduction <add>, %mul3A_119, %reduce_sum3A_120 [1] : vector<4096x8xf32> to vector<4096xf32>
    %broadcast_in_dim3A_122 = vector.shape_cast %reduce_sum3A_121 : vector<4096xf32> to vector<4096x1xf32>
    %convert_element_type3A_123 = arith.fptosi %broadcast_in_dim3A_122 : vector<4096x1xf32> to vector<4096x1xi32>
    %swap3A_124 = arith.constant 0 : index
    %swap3A_125 = arith.constant 0 : index
    %swap3A_126 = vector.load %arg3[%swap3A_124, %swap3A_125] : memref<4096x1xi32, #tpu.memory_space<vmem>>, vector<4096x1xi32>
    tpu.vector_store %arg3[%swap3A_124, %swap3A_125], %convert_element_type3A_123 {strides = array<i32>} : memref<4096x1xi32, #tpu.memory_space<vmem>>, vector<4096x1xi32>,
    %iota3A_127 = tpu.iota {dimensions = array<i32: 0>} : vector<24x1xi32>
    %convert_element_type3A_128 = arith.sitofp %iota3A_127 : vector<24x1xi32> to vector<24x1xf32>
    %mul3A_129 = arith.constant 2.560000e+02 : f32
    %mul3A_130 = vector.broadcast %mul3A_129 : f32 to vector<24x1xf32>
    %mul3A_131 = arith.mulf %convert_element_type3A_128, %mul3A_130 : vector<24x1xf32>
    %le3A = vector.broadcast %dot_general3A_113 : vector<1x8xf32> to vector<24x8xf32>
    %le3A_132 = vector.broadcast %mul3A_131 : vector<24x1xf32> to vector<24x8xf32>
    %le3A_133 = arith.cmpf ole, %le3A, %le3A_132 : vector<24x8xf32>
    %convert_element_type3A_134 = arith.extui %le3A_133 : vector<24x8xi1> to vector<24x8xi32>
    %convert_element_type3A_135 = arith.sitofp %convert_element_type3A_134 : vector<24x8xi32> to vector<24x8xf32>
    %reduce_sum3A_136 = arith.constant dense<0.000000e+00> : vector<24xf32>
    %reduce_sum3A_137 = vector.multi_reduction <add>, %convert_element_type3A_135, %reduce_sum3A_136 [1] : vector<24x8xf32> to vector<24xf32>
    %broadcast_in_dim3A_138 = vector.shape_cast %reduce_sum3A_137 : vector<24xf32> to vector<24x1xf32>
    %reduce_sum3A_139 = vector.shape_cast %mul3A_107 : vector<1x8xf32> to vector<1x1x8xf32>
    %reduce_sum3A_140 = arith.constant dense<0.000000e+00> : vector<1xf32>
    %reduce_sum3A_141 = vector.multi_reduction <add>, %reduce_sum3A_139, %reduce_sum3A_140 [1, 2] : vector<1x1x8xf32> to vector<1xf32>
    %reduce_sum3A_142 = vector.shape_cast %reduce_sum3A_141 : vector<1xf32> to vector<1x1x1xf32>
    %reduce_sum3A_143 = vector.extract %reduce_sum3A_142[0, 0, 0] : f32 from vector<1x1x1xf32>
    %lt3A_144 = vector.broadcast %reduce_sum3A_143 : f32 to vector<24x1xf32>
    %lt3A_145 = arith.cmpf olt, %mul3A_131, %lt3A_144 : vector<24x1xf32>
    %sub3A = arith.constant 1.000000e+00 : f32
    %sub3A_146 = vector.broadcast %sub3A : f32 to vector<24x1xf32>
    %sub3A_147 = arith.subf %broadcast_in_dim3A_138, %sub3A_146 : vector<24x1xf32>
    %jit3A = arith.constant -1.000000e+00 : f32
    %broadcast_in_dim3A_148 = vector.broadcast %jit3A : f32 to vector<24x1xf32>
    %select_n3A = arith.select %lt3A_145, %sub3A_147, %broadcast_in_dim3A_148 : vector<24x1xi1>, vector<24x1xf32>
    %convert_element_type3A_149 = arith.fptosi %select_n3A : vector<24x1xf32> to vector<24x1xi32>
    %swap3A_150 = arith.constant 0 : index
    %swap3A_151 = arith.constant 0 : index
    %swap3A_152 = vector.load %arg4[%swap3A_150, %swap3A_151] : memref<24x1xi32, #tpu.memory_space<vmem>>, vector<24x1xi32>
    tpu.vector_store %arg4[%swap3A_150, %swap3A_151], %convert_element_type3A_149 {strides = array<i32>} : memref<24x1xi32, #tpu.memory_space<vmem>>, vector<24x1xi32>,
    %iota3A_153 = tpu.iota {dimensions = array<i32: 1>} : vector<2048x8xi32>
    %broadcast_in_dim3A_154 = arith.constant 0.000000e+00 : f32
    %broadcast_in_dim3A_155 = vector.broadcast %broadcast_in_dim3A_154 : f32 to vector<2048x8xf32>
    %get3A_156 = arith.constant 0 : index
    %get3A_157 = arith.constant 0 : index
    %get3A_158 = vector.load %arg1[%get3A_156, %get3A_157] : memref<2048x2xi32, #tpu.memory_space<vmem>>, vector<2048x1xi32>
    %eq3A_159 = vector.broadcast %get3A_158 : vector<2048x1xi32> to vector<2048x8xi32>
    %eq3A_160 = arith.cmpi eq, %eq3A_159, %iota3A_153 : vector<2048x8xi32>
    %get3A_161 = arith.constant 0 : index
    %get3A_162 = arith.constant 0 : index
    %get3A_163 = vector.load %arg2[%get3A_161, %get3A_162] : memref<2048x2xf32, #tpu.memory_space<vmem>>, vector<2048x1xf32>
    %gt3A_164 = arith.constant 0.000000e+00 : f32
    %gt3A_165 = vector.broadcast %gt3A_164 : f32 to vector<2048x1xf32>
    %gt3A_166 = arith.cmpf ogt, %get3A_163, %gt3A_165 : vector<2048x1xf32>
    %and3A = vector.broadcast %gt3A_166 : vector<2048x1xi1> to vector<2048x8xi1>
    %and3A_167 = arith.andi %eq3A_160, %and3A : vector<2048x8xi1>
    %convert_element_type3A_168 = arith.extui %and3A_167 : vector<2048x8xi1> to vector<2048x8xi32>
    %convert_element_type3A_169 = arith.sitofp %convert_element_type3A_168 : vector<2048x8xi32> to vector<2048x8xf32>
    %max3A = arith.maximumf %broadcast_in_dim3A_155, %convert_element_type3A_169 : vector<2048x8xf32>
    %get3A_170 = arith.constant 0 : index
    %get3A_171 = arith.constant 1 : index
    %get3A_172 = vector.load %arg1[%get3A_170, %get3A_171] : memref<2048x2xi32, #tpu.memory_space<vmem>>, vector<2048x1xi32>
    %eq3A_173 = vector.broadcast %get3A_172 : vector<2048x1xi32> to vector<2048x8xi32>
    %eq3A_174 = arith.cmpi eq, %eq3A_173, %iota3A_153 : vector<2048x8xi32>
    %get3A_175 = arith.constant 0 : index
    %get3A_176 = arith.constant 1 : index
    %get3A_177 = vector.load %arg2[%get3A_175, %get3A_176] : memref<2048x2xf32, #tpu.memory_space<vmem>>, vector<2048x1xf32>
    %gt3A_178 = arith.constant 0.000000e+00 : f32
    %gt3A_179 = vector.broadcast %gt3A_178 : f32 to vector<2048x1xf32>
    %gt3A_180 = arith.cmpf ogt, %get3A_177, %gt3A_179 : vector<2048x1xf32>
    %and3A_181 = vector.broadcast %gt3A_180 : vector<2048x1xi1> to vector<2048x8xi1>
    %and3A_182 = arith.andi %eq3A_174, %and3A_181 : vector<2048x8xi1>
    %convert_element_type3A_183 = arith.extui %and3A_182 : vector<2048x8xi1> to vector<2048x8xi32>
    %convert_element_type3A_184 = arith.sitofp %convert_element_type3A_183 : vector<2048x8xi32> to vector<2048x8xf32>
    %max3A_185 = arith.maximumf %max3A, %convert_element_type3A_184 : vector<2048x8xf32>
    %swap3A_186 = arith.constant 0 : index
    %swap3A_187 = arith.constant 0 : index
    %swap3A_188 = vector.load %arg5[%swap3A_186, %swap3A_187] : memref<2048x8xf32, #tpu.memory_space<vmem>>, vector<2048x8xf32>
    tpu.vector_store %arg5[%swap3A_186, %swap3A_187], %max3A_185 {strides = array<i32>} : memref<2048x8xf32, #tpu.memory_space<vmem>>, vector<2048x8xf32>,
    return
  }
}

module attributes {stable_mosaic.version = 14 : i64} {
  func.func @_wcast_body(%arg0: i32, %arg1: memref<1x768x768xf32, #tpu.memory_space<vmem>>, %arg2: memref<1x768x768xf32, #tpu.memory_space<vmem>>, %arg3: memref<1x768x768xbf16, #tpu.memory_space<vmem>>, %arg4: memref<1x768x768xbf16, #tpu.memory_space<vmem>>) attributes {dimension_semantics = [#tpu.dimension_semantics<arbitrary>], iteration_bounds = array<i64: 8>, scalar_prefetch = 0 : i64, scratch_operands = 0 : i64, tpu.core_type = #tpu.core_type<tc>, window_params = [{transform_indices = @transform_0, window_bounds = array<i64: 1, 768, 768>}, {transform_indices = @transform_1, window_bounds = array<i64: 1, 768, 768>}, {transform_indices = @transform_2, window_bounds = array<i64: 1, 768, 768>}, {transform_indices = @transform_3, window_bounds = array<i64: 1, 768, 768>}]} {
    %get3A = arith.constant 0 : index
    %get3A_0 = arith.constant 0 : index
    %get3A_1 = arith.constant 0 : index
    %get3A_2 = vector.load %arg1[%get3A, %get3A_0, %get3A_1] : memref<1x768x768xf32, #tpu.memory_space<vmem>>, vector<1x768x768xf32>
    %convert_element_type3A = arith.truncf %get3A_2 : vector<1x768x768xf32> to vector<1x768x768xbf16>
    %swap3A = arith.constant 0 : index
    %swap3A_3 = arith.constant 0 : index
    %swap3A_4 = arith.constant 0 : index
    %swap3A_5 = vector.load %arg3[%swap3A, %swap3A_3, %swap3A_4] : memref<1x768x768xbf16, #tpu.memory_space<vmem>>, vector<1x768x768xbf16>
    tpu.vector_store %arg3[%swap3A, %swap3A_3, %swap3A_4], %convert_element_type3A {strides = array<i32>} : memref<1x768x768xbf16, #tpu.memory_space<vmem>>, vector<1x768x768xbf16>,
    %get3A_6 = arith.constant 0 : index
    %get3A_7 = arith.constant 0 : index
    %get3A_8 = arith.constant 0 : index
    %get3A_9 = vector.load %arg2[%get3A_6, %get3A_7, %get3A_8] : memref<1x768x768xf32, #tpu.memory_space<vmem>>, vector<1x768x768xf32>
    %convert_element_type3A_10 = arith.truncf %get3A_9 : vector<1x768x768xf32> to vector<1x768x768xbf16>
    %swap3A_11 = arith.constant 0 : index
    %swap3A_12 = arith.constant 0 : index
    %swap3A_13 = arith.constant 0 : index
    %swap3A_14 = vector.load %arg4[%swap3A_11, %swap3A_12, %swap3A_13] : memref<1x768x768xbf16, #tpu.memory_space<vmem>>, vector<1x768x768xbf16>
    tpu.vector_store %arg4[%swap3A_11, %swap3A_12, %swap3A_13], %convert_element_type3A_10 {strides = array<i32>} : memref<1x768x768xbf16, #tpu.memory_space<vmem>>, vector<1x768x768xbf16>,
    return
  }
  func.func @transform_0(%arg0: i32) -> (i32, i32, i32) {
    %c0_i32 = arith.constant 0 : i32
    %c0_i32_0 = arith.constant 0 : i32
    %c0_i32_1 = arith.constant 0 : i32
    return %arg0, %c0_i32, %c0_i32_0 : i32, i32, i32
  }
  func.func @transform_1(%arg0: i32) -> (i32, i32, i32) {
    %c0_i32 = arith.constant 0 : i32
    %c0_i32_0 = arith.constant 0 : i32
    %c0_i32_1 = arith.constant 0 : i32
    return %arg0, %c0_i32, %c0_i32_0 : i32, i32, i32
  }
  func.func @transform_2(%arg0: i32) -> (i32, i32, i32) {
    %c0_i32 = arith.constant 0 : i32
    %c0_i32_0 = arith.constant 0 : i32
    %c0_i32_1 = arith.constant 0 : i32
    return %arg0, %c0_i32, %c0_i32_0 : i32, i32, i32
  }
  func.func @transform_3(%arg0: i32) -> (i32, i32, i32) {
    %c0_i32 = arith.constant 0 : i32
    %c0_i32_0 = arith.constant 0 : i32
    %c0_i32_1 = arith.constant 0 : i32
    return %arg0, %c0_i32, %c0_i32_0 : i32, i32, i32
  }
}

module attributes {stable_mosaic.version = 14 : i64} {
  func.func @_mlp_body(%arg0: i32, %arg1: memref<24xi32, #tpu.memory_space<smem>>, %arg2: memref<1024x768xf32, #tpu.memory_space<vmem>>, %arg3: memref<8x768x768xbf16, #tpu.memory_space<vmem>>, %arg4: memref<8x1x768xf32, #tpu.memory_space<vmem>>, %arg5: memref<8x768x768xbf16, #tpu.memory_space<vmem>>, %arg6: memref<8x1x768xf32, #tpu.memory_space<vmem>>, %arg7: memref<1024x768xf32, #tpu.memory_space<vmem>>) attributes {dimension_semantics = [#tpu.dimension_semantics<arbitrary>], iteration_bounds = array<i64: 6>, scalar_prefetch = 1 : i64, scratch_operands = 0 : i64, tpu.core_type = #tpu.core_type<tc>, window_params = [{transform_indices = @transform_0, window_bounds = array<i64: 1024, 768>}, {pipeline_mode = #tpu.pipeline_mode<synchronous>, transform_indices = @transform_1, window_bounds = array<i64: 8, 768, 768>}, {pipeline_mode = #tpu.pipeline_mode<synchronous>, transform_indices = @transform_2, window_bounds = array<i64: 8, 1, 768>}, {pipeline_mode = #tpu.pipeline_mode<synchronous>, transform_indices = @transform_3, window_bounds = array<i64: 8, 768, 768>}, {pipeline_mode = #tpu.pipeline_mode<synchronous>, transform_indices = @transform_4, window_bounds = array<i64: 8, 1, 768>}, {transform_indices = @transform_5, window_bounds = array<i64: 1024, 768>}]} {
    %mul3A = arith.constant 4 : i32
    %mul3A_0 = arith.muli %arg0, %mul3A : i32
    %add3A = arith.constant 0 : i32
    %add3A_1 = arith.addi %mul3A_0, %add3A : i32
    %get3A = arith.index_cast %add3A_1 : i32 to index
    %get3A_2 = memref.load %arg1[%get3A] : memref<24xi32, #tpu.memory_space<smem>>
    %ge3A = arith.constant 0 : i32
    %ge3A_3 = arith.cmpi sge, %get3A_2, %ge3A : i32
    %convert_element_type3A = arith.extui %ge3A_3 : i1 to i32
    %cond3A = arith.constant 0 : i32
    %cond3A_4 = arith.cmpi ne, %convert_element_type3A, %cond3A : i32
    scf.if %cond3A_4 {
      %max3A = arith.constant 0 : i32
      %max3A_57 = arith.maxsi %get3A_2, %max3A : i32
      %get3A_58 = arith.constant 0 : index
      %get3A_59 = arith.constant 0 : index
      %get3A_60 = vector.load %arg2[%get3A_58, %get3A_59] : memref<1024x768xf32, #tpu.memory_space<vmem>>, vector<256x768xf32>
      %convert_element_type3A_61 = arith.truncf %get3A_60 : vector<256x768xf32> to vector<256x768xbf16>
      %get3A_62 = arith.index_cast %max3A_57 : i32 to index
      %get3A_63 = arith.constant 0 : index
      %get3A_64 = arith.constant 0 : index
      %get3A_65 = vector.load %arg3[%get3A_62, %get3A_63, %get3A_64] : memref<8x768x768xbf16, #tpu.memory_space<vmem>>, vector<1x768x768xbf16>
      %get3A_66 = vector.shape_cast %get3A_65 : vector<1x768x768xbf16> to vector<768x768xbf16>
      %dot_general3A = arith.constant dense<0.000000e+00> : vector<256x768xf32>
      %dot_general3A_67 = tpu.matmul %convert_element_type3A_61, %get3A_66, %dot_general3A {dimension_numbers = #tpu.dot_dimension_numbers<[1], [0], [0], [1], [0, 0, 1, 1], [], []>, transpose_lhs_hint = false} : vector<256x768xbf16>, vector<768x768xbf16>, vector<256x768xf32> -> vector<256x768xf32>
      %get3A_68 = arith.index_cast %max3A_57 : i32 to index
      %get3A_69 = arith.constant 0 : index
      %get3A_70 = arith.constant 0 : index
      %get3A_71 = vector.load %arg4[%get3A_68, %get3A_69, %get3A_70] : memref<8x1x768xf32, #tpu.memory_space<vmem>>, vector<1x1x768xf32>
      %get3A_72 = vector.shape_cast %get3A_71 : vector<1x1x768xf32> to vector<1x768xf32>
      %add3A_73 = vector.broadcast %get3A_72 : vector<1x768xf32> to vector<256x768xf32>
      %add3A_74 = arith.addf %dot_general3A_67, %add3A_73 : vector<256x768xf32>
      %max3A_75 = arith.constant 0.000000e+00 : f32
      %max3A_76 = vector.broadcast %max3A_75 : f32 to vector<256x768xf32>
      %max3A_77 = arith.maximumf %add3A_74, %max3A_76 : vector<256x768xf32>
      %convert_element_type3A_78 = arith.truncf %max3A_77 : vector<256x768xf32> to vector<256x768xbf16>
      %get3A_79 = arith.index_cast %max3A_57 : i32 to index
      %get3A_80 = arith.constant 0 : index
      %get3A_81 = arith.constant 0 : index
      %get3A_82 = vector.load %arg5[%get3A_79, %get3A_80, %get3A_81] : memref<8x768x768xbf16, #tpu.memory_space<vmem>>, vector<1x768x768xbf16>
      %get3A_83 = vector.shape_cast %get3A_82 : vector<1x768x768xbf16> to vector<768x768xbf16>
      %dot_general3A_84 = arith.constant dense<0.000000e+00> : vector<256x768xf32>
      %dot_general3A_85 = tpu.matmul %convert_element_type3A_78, %get3A_83, %dot_general3A_84 {dimension_numbers = #tpu.dot_dimension_numbers<[1], [0], [0], [1], [0, 0, 1, 1], [], []>, transpose_lhs_hint = false} : vector<256x768xbf16>, vector<768x768xbf16>, vector<256x768xf32> -> vector<256x768xf32>
      %get3A_86 = arith.index_cast %max3A_57 : i32 to index
      %get3A_87 = arith.constant 0 : index
      %get3A_88 = arith.constant 0 : index
      %get3A_89 = vector.load %arg6[%get3A_86, %get3A_87, %get3A_88] : memref<8x1x768xf32, #tpu.memory_space<vmem>>, vector<1x1x768xf32>
      %get3A_90 = vector.shape_cast %get3A_89 : vector<1x1x768xf32> to vector<1x768xf32>
      %add3A_91 = vector.broadcast %get3A_90 : vector<1x768xf32> to vector<256x768xf32>
      %add3A_92 = arith.addf %dot_general3A_85, %add3A_91 : vector<256x768xf32>
      %swap3A = arith.constant 0 : index
      %swap3A_93 = arith.constant 0 : index
      %swap3A_94 = vector.load %arg7[%swap3A, %swap3A_93] : memref<1024x768xf32, #tpu.memory_space<vmem>>, vector<256x768xf32>
      tpu.vector_store %arg7[%swap3A, %swap3A_93], %add3A_92 {strides = array<i32>} : memref<1024x768xf32, #tpu.memory_space<vmem>>, vector<256x768xf32>,
    } else {
    }
    %lt3A = arith.constant 0 : i32
    %lt3A_5 = arith.cmpi slt, %get3A_2, %lt3A : i32
    %convert_element_type3A_6 = arith.extui %lt3A_5 : i1 to i32
    %cond3A_7 = arith.constant 0 : i32
    %cond3A_8 = arith.cmpi ne, %convert_element_type3A_6, %cond3A_7 : i32
    scf.if %cond3A_8 {
      %broadcast_in_dim3A = arith.constant 0.000000e+00 : f32
      %broadcast_in_dim3A_57 = vector.broadcast %broadcast_in_dim3A : f32 to vector<256x768xf32>
      %swap3A = arith.constant 0 : index
      %swap3A_58 = arith.constant 0 : index
      %swap3A_59 = vector.load %arg7[%swap3A, %swap3A_58] : memref<1024x768xf32, #tpu.memory_space<vmem>>, vector<256x768xf32>
      tpu.vector_store %arg7[%swap3A, %swap3A_58], %broadcast_in_dim3A_57 {strides = array<i32>} : memref<1024x768xf32, #tpu.memory_space<vmem>>, vector<256x768xf32>,
    } else {
    }
    %mul3A_9 = arith.constant 4 : i32
    %mul3A_10 = arith.muli %arg0, %mul3A_9 : i32
    %add3A_11 = arith.constant 1 : i32
    %add3A_12 = arith.addi %mul3A_10, %add3A_11 : i32
    %get3A_13 = arith.index_cast %add3A_12 : i32 to index
    %get3A_14 = memref.load %arg1[%get3A_13] : memref<24xi32, #tpu.memory_space<smem>>
    %ge3A_15 = arith.constant 0 : i32
    %ge3A_16 = arith.cmpi sge, %get3A_14, %ge3A_15 : i32
    %convert_element_type3A_17 = arith.extui %ge3A_16 : i1 to i32
    %cond3A_18 = arith.constant 0 : i32
    %cond3A_19 = arith.cmpi ne, %convert_element_type3A_17, %cond3A_18 : i32
    scf.if %cond3A_19 {
      %max3A = arith.constant 0 : i32
      %max3A_57 = arith.maxsi %get3A_14, %max3A : i32
      %get3A_58 = arith.constant 256 : index
      %get3A_59 = arith.constant 0 : index
      %get3A_60 = vector.load %arg2[%get3A_58, %get3A_59] : memref<1024x768xf32, #tpu.memory_space<vmem>>, vector<256x768xf32>
      %convert_element_type3A_61 = arith.truncf %get3A_60 : vector<256x768xf32> to vector<256x768xbf16>
      %get3A_62 = arith.index_cast %max3A_57 : i32 to index
      %get3A_63 = arith.constant 0 : index
      %get3A_64 = arith.constant 0 : index
      %get3A_65 = vector.load %arg3[%get3A_62, %get3A_63, %get3A_64] : memref<8x768x768xbf16, #tpu.memory_space<vmem>>, vector<1x768x768xbf16>
      %get3A_66 = vector.shape_cast %get3A_65 : vector<1x768x768xbf16> to vector<768x768xbf16>
      %dot_general3A = arith.constant dense<0.000000e+00> : vector<256x768xf32>
      %dot_general3A_67 = tpu.matmul %convert_element_type3A_61, %get3A_66, %dot_general3A {dimension_numbers = #tpu.dot_dimension_numbers<[1], [0], [0], [1], [0, 0, 1, 1], [], []>, transpose_lhs_hint = false} : vector<256x768xbf16>, vector<768x768xbf16>, vector<256x768xf32> -> vector<256x768xf32>
      %get3A_68 = arith.index_cast %max3A_57 : i32 to index
      %get3A_69 = arith.constant 0 : index
      %get3A_70 = arith.constant 0 : index
      %get3A_71 = vector.load %arg4[%get3A_68, %get3A_69, %get3A_70] : memref<8x1x768xf32, #tpu.memory_space<vmem>>, vector<1x1x768xf32>
      %get3A_72 = vector.shape_cast %get3A_71 : vector<1x1x768xf32> to vector<1x768xf32>
      %add3A_73 = vector.broadcast %get3A_72 : vector<1x768xf32> to vector<256x768xf32>
      %add3A_74 = arith.addf %dot_general3A_67, %add3A_73 : vector<256x768xf32>
      %max3A_75 = arith.constant 0.000000e+00 : f32
      %max3A_76 = vector.broadcast %max3A_75 : f32 to vector<256x768xf32>
      %max3A_77 = arith.maximumf %add3A_74, %max3A_76 : vector<256x768xf32>
      %convert_element_type3A_78 = arith.truncf %max3A_77 : vector<256x768xf32> to vector<256x768xbf16>
      %get3A_79 = arith.index_cast %max3A_57 : i32 to index
      %get3A_80 = arith.constant 0 : index
      %get3A_81 = arith.constant 0 : index
      %get3A_82 = vector.load %arg5[%get3A_79, %get3A_80, %get3A_81] : memref<8x768x768xbf16, #tpu.memory_space<vmem>>, vector<1x768x768xbf16>
      %get3A_83 = vector.shape_cast %get3A_82 : vector<1x768x768xbf16> to vector<768x768xbf16>
      %dot_general3A_84 = arith.constant dense<0.000000e+00> : vector<256x768xf32>
      %dot_general3A_85 = tpu.matmul %convert_element_type3A_78, %get3A_83, %dot_general3A_84 {dimension_numbers = #tpu.dot_dimension_numbers<[1], [0], [0], [1], [0, 0, 1, 1], [], []>, transpose_lhs_hint = false} : vector<256x768xbf16>, vector<768x768xbf16>, vector<256x768xf32> -> vector<256x768xf32>
      %get3A_86 = arith.index_cast %max3A_57 : i32 to index
      %get3A_87 = arith.constant 0 : index
      %get3A_88 = arith.constant 0 : index
      %get3A_89 = vector.load %arg6[%get3A_86, %get3A_87, %get3A_88] : memref<8x1x768xf32, #tpu.memory_space<vmem>>, vector<1x1x768xf32>
      %get3A_90 = vector.shape_cast %get3A_89 : vector<1x1x768xf32> to vector<1x768xf32>
      %add3A_91 = vector.broadcast %get3A_90 : vector<1x768xf32> to vector<256x768xf32>
      %add3A_92 = arith.addf %dot_general3A_85, %add3A_91 : vector<256x768xf32>
      %swap3A = arith.constant 256 : index
      %swap3A_93 = arith.constant 0 : index
      %swap3A_94 = vector.load %arg7[%swap3A, %swap3A_93] : memref<1024x768xf32, #tpu.memory_space<vmem>>, vector<256x768xf32>
      tpu.vector_store %arg7[%swap3A, %swap3A_93], %add3A_92 {strides = array<i32>} : memref<1024x768xf32, #tpu.memory_space<vmem>>, vector<256x768xf32>,
    } else {
    }
    %lt3A_20 = arith.constant 0 : i32
    %lt3A_21 = arith.cmpi slt, %get3A_14, %lt3A_20 : i32
    %convert_element_type3A_22 = arith.extui %lt3A_21 : i1 to i32
    %cond3A_23 = arith.constant 0 : i32
    %cond3A_24 = arith.cmpi ne, %convert_element_type3A_22, %cond3A_23 : i32
    scf.if %cond3A_24 {
      %broadcast_in_dim3A = arith.constant 0.000000e+00 : f32
      %broadcast_in_dim3A_57 = vector.broadcast %broadcast_in_dim3A : f32 to vector<256x768xf32>
      %swap3A = arith.constant 256 : index
      %swap3A_58 = arith.constant 0 : index
      %swap3A_59 = vector.load %arg7[%swap3A, %swap3A_58] : memref<1024x768xf32, #tpu.memory_space<vmem>>, vector<256x768xf32>
      tpu.vector_store %arg7[%swap3A, %swap3A_58], %broadcast_in_dim3A_57 {strides = array<i32>} : memref<1024x768xf32, #tpu.memory_space<vmem>>, vector<256x768xf32>,
    } else {
    }
    %mul3A_25 = arith.constant 4 : i32
    %mul3A_26 = arith.muli %arg0, %mul3A_25 : i32
    %add3A_27 = arith.constant 2 : i32
    %add3A_28 = arith.addi %mul3A_26, %add3A_27 : i32
    %get3A_29 = arith.index_cast %add3A_28 : i32 to index
    %get3A_30 = memref.load %arg1[%get3A_29] : memref<24xi32, #tpu.memory_space<smem>>
    %ge3A_31 = arith.constant 0 : i32
    %ge3A_32 = arith.cmpi sge, %get3A_30, %ge3A_31 : i32
    %convert_element_type3A_33 = arith.extui %ge3A_32 : i1 to i32
    %cond3A_34 = arith.constant 0 : i32
    %cond3A_35 = arith.cmpi ne, %convert_element_type3A_33, %cond3A_34 : i32
    scf.if %cond3A_35 {
      %max3A = arith.constant 0 : i32
      %max3A_57 = arith.maxsi %get3A_30, %max3A : i32
      %get3A_58 = arith.constant 512 : index
      %get3A_59 = arith.constant 0 : index
      %get3A_60 = vector.load %arg2[%get3A_58, %get3A_59] : memref<1024x768xf32, #tpu.memory_space<vmem>>, vector<256x768xf32>
      %convert_element_type3A_61 = arith.truncf %get3A_60 : vector<256x768xf32> to vector<256x768xbf16>
      %get3A_62 = arith.index_cast %max3A_57 : i32 to index
      %get3A_63 = arith.constant 0 : index
      %get3A_64 = arith.constant 0 : index
      %get3A_65 = vector.load %arg3[%get3A_62, %get3A_63, %get3A_64] : memref<8x768x768xbf16, #tpu.memory_space<vmem>>, vector<1x768x768xbf16>
      %get3A_66 = vector.shape_cast %get3A_65 : vector<1x768x768xbf16> to vector<768x768xbf16>
      %dot_general3A = arith.constant dense<0.000000e+00> : vector<256x768xf32>
      %dot_general3A_67 = tpu.matmul %convert_element_type3A_61, %get3A_66, %dot_general3A {dimension_numbers = #tpu.dot_dimension_numbers<[1], [0], [0], [1], [0, 0, 1, 1], [], []>, transpose_lhs_hint = false} : vector<256x768xbf16>, vector<768x768xbf16>, vector<256x768xf32> -> vector<256x768xf32>
      %get3A_68 = arith.index_cast %max3A_57 : i32 to index
      %get3A_69 = arith.constant 0 : index
      %get3A_70 = arith.constant 0 : index
      %get3A_71 = vector.load %arg4[%get3A_68, %get3A_69, %get3A_70] : memref<8x1x768xf32, #tpu.memory_space<vmem>>, vector<1x1x768xf32>
      %get3A_72 = vector.shape_cast %get3A_71 : vector<1x1x768xf32> to vector<1x768xf32>
      %add3A_73 = vector.broadcast %get3A_72 : vector<1x768xf32> to vector<256x768xf32>
      %add3A_74 = arith.addf %dot_general3A_67, %add3A_73 : vector<256x768xf32>
      %max3A_75 = arith.constant 0.000000e+00 : f32
      %max3A_76 = vector.broadcast %max3A_75 : f32 to vector<256x768xf32>
      %max3A_77 = arith.maximumf %add3A_74, %max3A_76 : vector<256x768xf32>
      %convert_element_type3A_78 = arith.truncf %max3A_77 : vector<256x768xf32> to vector<256x768xbf16>
      %get3A_79 = arith.index_cast %max3A_57 : i32 to index
      %get3A_80 = arith.constant 0 : index
      %get3A_81 = arith.constant 0 : index
      %get3A_82 = vector.load %arg5[%get3A_79, %get3A_80, %get3A_81] : memref<8x768x768xbf16, #tpu.memory_space<vmem>>, vector<1x768x768xbf16>
      %get3A_83 = vector.shape_cast %get3A_82 : vector<1x768x768xbf16> to vector<768x768xbf16>
      %dot_general3A_84 = arith.constant dense<0.000000e+00> : vector<256x768xf32>
      %dot_general3A_85 = tpu.matmul %convert_element_type3A_78, %get3A_83, %dot_general3A_84 {dimension_numbers = #tpu.dot_dimension_numbers<[1], [0], [0], [1], [0, 0, 1, 1], [], []>, transpose_lhs_hint = false} : vector<256x768xbf16>, vector<768x768xbf16>, vector<256x768xf32> -> vector<256x768xf32>
      %get3A_86 = arith.index_cast %max3A_57 : i32 to index
      %get3A_87 = arith.constant 0 : index
      %get3A_88 = arith.constant 0 : index
      %get3A_89 = vector.load %arg6[%get3A_86, %get3A_87, %get3A_88] : memref<8x1x768xf32, #tpu.memory_space<vmem>>, vector<1x1x768xf32>
      %get3A_90 = vector.shape_cast %get3A_89 : vector<1x1x768xf32> to vector<1x768xf32>
      %add3A_91 = vector.broadcast %get3A_90 : vector<1x768xf32> to vector<256x768xf32>
      %add3A_92 = arith.addf %dot_general3A_85, %add3A_91 : vector<256x768xf32>
      %swap3A = arith.constant 512 : index
      %swap3A_93 = arith.constant 0 : index
      %swap3A_94 = vector.load %arg7[%swap3A, %swap3A_93] : memref<1024x768xf32, #tpu.memory_space<vmem>>, vector<256x768xf32>
      tpu.vector_store %arg7[%swap3A, %swap3A_93], %add3A_92 {strides = array<i32>} : memref<1024x768xf32, #tpu.memory_space<vmem>>, vector<256x768xf32>,
    } else {
    }
    %lt3A_36 = arith.constant 0 : i32
    %lt3A_37 = arith.cmpi slt, %get3A_30, %lt3A_36 : i32
    %convert_element_type3A_38 = arith.extui %lt3A_37 : i1 to i32
    %cond3A_39 = arith.constant 0 : i32
    %cond3A_40 = arith.cmpi ne, %convert_element_type3A_38, %cond3A_39 : i32
    scf.if %cond3A_40 {
      %broadcast_in_dim3A = arith.constant 0.000000e+00 : f32
      %broadcast_in_dim3A_57 = vector.broadcast %broadcast_in_dim3A : f32 to vector<256x768xf32>
      %swap3A = arith.constant 512 : index
      %swap3A_58 = arith.constant 0 : index
      %swap3A_59 = vector.load %arg7[%swap3A, %swap3A_58] : memref<1024x768xf32, #tpu.memory_space<vmem>>, vector<256x768xf32>
      tpu.vector_store %arg7[%swap3A, %swap3A_58], %broadcast_in_dim3A_57 {strides = array<i32>} : memref<1024x768xf32, #tpu.memory_space<vmem>>, vector<256x768xf32>,
    } else {
    }
    %mul3A_41 = arith.constant 4 : i32
    %mul3A_42 = arith.muli %arg0, %mul3A_41 : i32
    %add3A_43 = arith.constant 3 : i32
    %add3A_44 = arith.addi %mul3A_42, %add3A_43 : i32
    %get3A_45 = arith.index_cast %add3A_44 : i32 to index
    %get3A_46 = memref.load %arg1[%get3A_45] : memref<24xi32, #tpu.memory_space<smem>>
    %ge3A_47 = arith.constant 0 : i32
    %ge3A_48 = arith.cmpi sge, %get3A_46, %ge3A_47 : i32
    %convert_element_type3A_49 = arith.extui %ge3A_48 : i1 to i32
    %cond3A_50 = arith.constant 0 : i32
    %cond3A_51 = arith.cmpi ne, %convert_element_type3A_49, %cond3A_50 : i32
    scf.if %cond3A_51 {
      %max3A = arith.constant 0 : i32
      %max3A_57 = arith.maxsi %get3A_46, %max3A : i32
      %get3A_58 = arith.constant 768 : index
      %get3A_59 = arith.constant 0 : index
      %get3A_60 = vector.load %arg2[%get3A_58, %get3A_59] : memref<1024x768xf32, #tpu.memory_space<vmem>>, vector<256x768xf32>
      %convert_element_type3A_61 = arith.truncf %get3A_60 : vector<256x768xf32> to vector<256x768xbf16>
      %get3A_62 = arith.index_cast %max3A_57 : i32 to index
      %get3A_63 = arith.constant 0 : index
      %get3A_64 = arith.constant 0 : index
      %get3A_65 = vector.load %arg3[%get3A_62, %get3A_63, %get3A_64] : memref<8x768x768xbf16, #tpu.memory_space<vmem>>, vector<1x768x768xbf16>
      %get3A_66 = vector.shape_cast %get3A_65 : vector<1x768x768xbf16> to vector<768x768xbf16>
      %dot_general3A = arith.constant dense<0.000000e+00> : vector<256x768xf32>
      %dot_general3A_67 = tpu.matmul %convert_element_type3A_61, %get3A_66, %dot_general3A {dimension_numbers = #tpu.dot_dimension_numbers<[1], [0], [0], [1], [0, 0, 1, 1], [], []>, transpose_lhs_hint = false} : vector<256x768xbf16>, vector<768x768xbf16>, vector<256x768xf32> -> vector<256x768xf32>
      %get3A_68 = arith.index_cast %max3A_57 : i32 to index
      %get3A_69 = arith.constant 0 : index
      %get3A_70 = arith.constant 0 : index
      %get3A_71 = vector.load %arg4[%get3A_68, %get3A_69, %get3A_70] : memref<8x1x768xf32, #tpu.memory_space<vmem>>, vector<1x1x768xf32>
      %get3A_72 = vector.shape_cast %get3A_71 : vector<1x1x768xf32> to vector<1x768xf32>
      %add3A_73 = vector.broadcast %get3A_72 : vector<1x768xf32> to vector<256x768xf32>
      %add3A_74 = arith.addf %dot_general3A_67, %add3A_73 : vector<256x768xf32>
      %max3A_75 = arith.constant 0.000000e+00 : f32
      %max3A_76 = vector.broadcast %max3A_75 : f32 to vector<256x768xf32>
      %max3A_77 = arith.maximumf %add3A_74, %max3A_76 : vector<256x768xf32>
      %convert_element_type3A_78 = arith.truncf %max3A_77 : vector<256x768xf32> to vector<256x768xbf16>
      %get3A_79 = arith.index_cast %max3A_57 : i32 to index
      %get3A_80 = arith.constant 0 : index
      %get3A_81 = arith.constant 0 : index
      %get3A_82 = vector.load %arg5[%get3A_79, %get3A_80, %get3A_81] : memref<8x768x768xbf16, #tpu.memory_space<vmem>>, vector<1x768x768xbf16>
      %get3A_83 = vector.shape_cast %get3A_82 : vector<1x768x768xbf16> to vector<768x768xbf16>
      %dot_general3A_84 = arith.constant dense<0.000000e+00> : vector<256x768xf32>
      %dot_general3A_85 = tpu.matmul %convert_element_type3A_78, %get3A_83, %dot_general3A_84 {dimension_numbers = #tpu.dot_dimension_numbers<[1], [0], [0], [1], [0, 0, 1, 1], [], []>, transpose_lhs_hint = false} : vector<256x768xbf16>, vector<768x768xbf16>, vector<256x768xf32> -> vector<256x768xf32>
      %get3A_86 = arith.index_cast %max3A_57 : i32 to index
      %get3A_87 = arith.constant 0 : index
      %get3A_88 = arith.constant 0 : index
      %get3A_89 = vector.load %arg6[%get3A_86, %get3A_87, %get3A_88] : memref<8x1x768xf32, #tpu.memory_space<vmem>>, vector<1x1x768xf32>
      %get3A_90 = vector.shape_cast %get3A_89 : vector<1x1x768xf32> to vector<1x768xf32>
      %add3A_91 = vector.broadcast %get3A_90 : vector<1x768xf32> to vector<256x768xf32>
      %add3A_92 = arith.addf %dot_general3A_85, %add3A_91 : vector<256x768xf32>
      %swap3A = arith.constant 768 : index
      %swap3A_93 = arith.constant 0 : index
      %swap3A_94 = vector.load %arg7[%swap3A, %swap3A_93] : memref<1024x768xf32, #tpu.memory_space<vmem>>, vector<256x768xf32>
      tpu.vector_store %arg7[%swap3A, %swap3A_93], %add3A_92 {strides = array<i32>} : memref<1024x768xf32, #tpu.memory_space<vmem>>, vector<256x768xf32>,
    } else {
    }
    %lt3A_52 = arith.constant 0 : i32
    %lt3A_53 = arith.cmpi slt, %get3A_46, %lt3A_52 : i32
    %convert_element_type3A_54 = arith.extui %lt3A_53 : i1 to i32
    %cond3A_55 = arith.constant 0 : i32
    %cond3A_56 = arith.cmpi ne, %convert_element_type3A_54, %cond3A_55 : i32
    scf.if %cond3A_56 {
      %broadcast_in_dim3A = arith.constant 0.000000e+00 : f32
      %broadcast_in_dim3A_57 = vector.broadcast %broadcast_in_dim3A : f32 to vector<256x768xf32>
      %swap3A = arith.constant 768 : index
      %swap3A_58 = arith.constant 0 : index
      %swap3A_59 = vector.load %arg7[%swap3A, %swap3A_58] : memref<1024x768xf32, #tpu.memory_space<vmem>>, vector<256x768xf32>
      tpu.vector_store %arg7[%swap3A, %swap3A_58], %broadcast_in_dim3A_57 {strides = array<i32>} : memref<1024x768xf32, #tpu.memory_space<vmem>>, vector<256x768xf32>,
    } else {
    }
    return
  }
  func.func @transform_0(%arg0: i32, %arg1: memref<24xi32, #tpu.memory_space<smem>>) -> (i32, i32) {
    %c0_i32 = arith.constant 0 : i32
    %c0_i32_0 = arith.constant 0 : i32
    return %arg0, %c0_i32 : i32, i32
  }
  func.func @transform_1(%arg0: i32, %arg1: memref<24xi32, #tpu.memory_space<smem>>) -> (i32, i32, i32) {
    %c0_i32 = arith.constant 0 : i32
    %c0_i32_0 = arith.constant 0 : i32
    %c0_i32_1 = arith.constant 0 : i32
    %c0_i32_2 = arith.constant 0 : i32
    return %c0_i32, %c0_i32_0, %c0_i32_1 : i32, i32, i32
  }
  func.func @transform_2(%arg0: i32, %arg1: memref<24xi32, #tpu.memory_space<smem>>) -> (i32, i32, i32) {
    %c0_i32 = arith.constant 0 : i32
    %c0_i32_0 = arith.constant 0 : i32
    %c0_i32_1 = arith.constant 0 : i32
    %c0_i32_2 = arith.constant 0 : i32
    return %c0_i32, %c0_i32_0, %c0_i32_1 : i32, i32, i32
  }
  func.func @transform_3(%arg0: i32, %arg1: memref<24xi32, #tpu.memory_space<smem>>) -> (i32, i32, i32) {
    %c0_i32 = arith.constant 0 : i32
    %c0_i32_0 = arith.constant 0 : i32
    %c0_i32_1 = arith.constant 0 : i32
    %c0_i32_2 = arith.constant 0 : i32
    return %c0_i32, %c0_i32_0, %c0_i32_1 : i32, i32, i32
  }
  func.func @transform_4(%arg0: i32, %arg1: memref<24xi32, #tpu.memory_space<smem>>) -> (i32, i32, i32) {
    %c0_i32 = arith.constant 0 : i32
    %c0_i32_0 = arith.constant 0 : i32
    %c0_i32_1 = arith.constant 0 : i32
    %c0_i32_2 = arith.constant 0 : i32
    return %c0_i32, %c0_i32_0, %c0_i32_1 : i32, i32, i32
  }
  func.func @transform_5(%arg0: i32, %arg1: memref<24xi32, #tpu.memory_space<smem>>) -> (i32, i32) {
    %c0_i32 = arith.constant 0 : i32
    %c0_i32_0 = arith.constant 0 : i32
    return %arg0, %c0_i32 : i32, i32
  }
}

module attributes {stable_mosaic.version = 14 : i64} {
  func.func @_combine_body(%arg0: i32, %arg1: memref<512x768xf32, #tpu.memory_space<vmem>>, %arg2: memref<512x2xf32, #tpu.memory_space<vmem>>, %arg3: memref<512x2xf32, #tpu.memory_space<vmem>>, %arg4: memref<512x768xf32, #tpu.memory_space<vmem>>, %arg5: memref<512x768xf32, #tpu.memory_space<vmem>>, %arg6: memref<1x1xf32, #tpu.memory_space<smem>>, %arg7: memref<512x768xf32, #tpu.memory_space<vmem>>) attributes {dimension_semantics = [#tpu.dimension_semantics<arbitrary>], iteration_bounds = array<i64: 4>, scalar_prefetch = 0 : i64, scratch_operands = 0 : i64, tpu.core_type = #tpu.core_type<tc>, window_params = [{transform_indices = @transform_0, window_bounds = array<i64: 512, 768>}, {transform_indices = @transform_1, window_bounds = array<i64: 512, 2>}, {transform_indices = @transform_2, window_bounds = array<i64: 512, 2>}, {transform_indices = @transform_3, window_bounds = array<i64: 512, 768>}, {transform_indices = @transform_4, window_bounds = array<i64: 512, 768>}, {transform_indices = @transform_5, window_bounds = array<i64: 1, 1>}, {transform_indices = @transform_6, window_bounds = array<i64: 512, 768>}]} {
    %get3A = arith.constant 0 : index
    %get3A_0 = arith.constant 0 : index
    %get3A_1 = vector.load %arg2[%get3A, %get3A_0] : memref<512x2xf32, #tpu.memory_space<vmem>>, vector<512x2xf32>
    %get3A_2 = arith.constant 0 : index
    %get3A_3 = arith.constant 0 : index
    %get3A_4 = vector.load %arg3[%get3A_2, %get3A_3] : memref<512x2xf32, #tpu.memory_space<vmem>>, vector<512x2xf32>
    %get3A_5 = arith.constant 0 : index
    %get3A_6 = arith.constant 0 : index
    %get3A_7 = memref.load %arg6[%get3A_5, %get3A_6] : memref<1x1xf32, #tpu.memory_space<smem>>
    %reduce_sum3A = arith.constant dense<0.000000e+00> : vector<512xf32>
    %reduce_sum3A_8 = vector.multi_reduction <add>, %get3A_1, %reduce_sum3A [1] : vector<512x2xf32> to vector<512xf32>
    %broadcast_in_dim3A = vector.shape_cast %reduce_sum3A_8 : vector<512xf32> to vector<512x1xf32>
    %jit3A = arith.constant 9.99999996E-13 : f32
    %max3A = vector.broadcast %jit3A : f32 to vector<512x1xf32>
    %max3A_9 = arith.maximumf %max3A, %broadcast_in_dim3A : vector<512x1xf32>
    %div3A = vector.broadcast %max3A_9 : vector<512x1xf32> to vector<512x2xf32>
    %div3A_10 = arith.divf %get3A_1, %div3A : vector<512x2xf32>
    %reduce_sum3A_11 = arith.constant dense<0.000000e+00> : vector<512xf32>
    %reduce_sum3A_12 = vector.multi_reduction <add>, %div3A_10, %reduce_sum3A_11 [1] : vector<512x2xf32> to vector<512xf32>
    %broadcast_in_dim3A_13 = vector.shape_cast %reduce_sum3A_12 : vector<512xf32> to vector<512x1xf32>
    %get3A_14 = arith.constant 0 : index
    %get3A_15 = arith.constant 0 : index
    %get3A_16 = vector.load %arg1[%get3A_14, %get3A_15] : memref<512x768xf32, #tpu.memory_space<vmem>>, vector<512x768xf32>
    %mul3A = vector.broadcast %broadcast_in_dim3A_13 : vector<512x1xf32> to vector<512x768xf32>
    %mul3A_17 = arith.mulf %mul3A, %get3A_16 : vector<512x768xf32>
    %slice3A = vector.extract_strided_slice %div3A_10 {offsets = [0, 0], sizes = [512, 1], strides = [1, 1]} : vector<512x2xf32> to vector<512x1xf32>
    %slice3A_18 = vector.extract_strided_slice %get3A_4 {offsets = [0, 0], sizes = [512, 1], strides = [1, 1]} : vector<512x2xf32> to vector<512x1xf32>
    %mul3A_19 = arith.mulf %slice3A, %slice3A_18 : vector<512x1xf32>
    %get3A_20 = arith.constant 0 : index
    %get3A_21 = arith.constant 0 : index
    %get3A_22 = vector.load %arg4[%get3A_20, %get3A_21] : memref<512x768xf32, #tpu.memory_space<vmem>>, vector<512x768xf32>
    %mul3A_23 = vector.broadcast %mul3A_19 : vector<512x1xf32> to vector<512x768xf32>
    %mul3A_24 = arith.mulf %mul3A_23, %get3A_22 : vector<512x768xf32>
    %add3A = arith.addf %mul3A_17, %mul3A_24 : vector<512x768xf32>
    %slice3A_25 = vector.extract_strided_slice %div3A_10 {offsets = [0, 1], sizes = [512, 1], strides = [1, 1]} : vector<512x2xf32> to vector<512x1xf32>
    %slice3A_26 = vector.extract_strided_slice %get3A_4 {offsets = [0, 1], sizes = [512, 1], strides = [1, 1]} : vector<512x2xf32> to vector<512x1xf32>
    %mul3A_27 = arith.mulf %slice3A_25, %slice3A_26 : vector<512x1xf32>
    %get3A_28 = arith.constant 0 : index
    %get3A_29 = arith.constant 0 : index
    %get3A_30 = vector.load %arg5[%get3A_28, %get3A_29] : memref<512x768xf32, #tpu.memory_space<vmem>>, vector<512x768xf32>
    %mul3A_31 = vector.broadcast %mul3A_27 : vector<512x1xf32> to vector<512x768xf32>
    %mul3A_32 = arith.mulf %mul3A_31, %get3A_30 : vector<512x768xf32>
    %add3A_33 = arith.addf %add3A, %mul3A_32 : vector<512x768xf32>
    %mul3A_34 = vector.broadcast %get3A_7 : f32 to vector<512x768xf32>
    %mul3A_35 = arith.mulf %mul3A_34, %add3A_33 : vector<512x768xf32>
    %swap3A = arith.constant 0 : index
    %swap3A_36 = arith.constant 0 : index
    %swap3A_37 = vector.load %arg7[%swap3A, %swap3A_36] : memref<512x768xf32, #tpu.memory_space<vmem>>, vector<512x768xf32>
    tpu.vector_store %arg7[%swap3A, %swap3A_36], %mul3A_35 {strides = array<i32>} : memref<512x768xf32, #tpu.memory_space<vmem>>, vector<512x768xf32>,
    return
  }
  func.func @transform_0(%arg0: i32) -> (i32, i32) {
    %c0_i32 = arith.constant 0 : i32
    %c0_i32_0 = arith.constant 0 : i32
    return %arg0, %c0_i32 : i32, i32
  }
  func.func @transform_1(%arg0: i32) -> (i32, i32) {
    %c0_i32 = arith.constant 0 : i32
    %c0_i32_0 = arith.constant 0 : i32
    return %arg0, %c0_i32 : i32, i32
  }
  func.func @transform_2(%arg0: i32) -> (i32, i32) {
    %c0_i32 = arith.constant 0 : i32
    %c0_i32_0 = arith.constant 0 : i32
    return %arg0, %c0_i32 : i32, i32
  }
  func.func @transform_3(%arg0: i32) -> (i32, i32) {
    %c0_i32 = arith.constant 0 : i32
    %c0_i32_0 = arith.constant 0 : i32
    return %arg0, %c0_i32 : i32, i32
  }
  func.func @transform_4(%arg0: i32) -> (i32, i32) {
    %c0_i32 = arith.constant 0 : i32
    %c0_i32_0 = arith.constant 0 : i32
    return %arg0, %c0_i32 : i32, i32
  }
  func.func @transform_5(%arg0: i32) -> (i32, i32) {
    %c0_i32 = arith.constant 0 : i32
    %c0_i32_0 = arith.constant 0 : i32
    %c0_i32_1 = arith.constant 0 : i32
    return %c0_i32, %c0_i32_0 : i32, i32
  }
  func.func @transform_6(%arg0: i32) -> (i32, i32) {
    %c0_i32 = arith.constant 0 : i32
    %c0_i32_0 = arith.constant 0 : i32
    return %arg0, %c0_i32 : i32, i32
  }
}

</mosaic_0001>

<sc_bundles>
// kernel: kernel.11.cloned.1.call-start
scs
__scs_entry_jumppad:
0x0: {  	(pc) =	sbr.rel $0x88, $3  }
0x1: {  	(tag) =	ssettag $0x0;
	lr =	simm.s32 $0x1  }
0x2: {  	[smem:$0x3F98] =	sst lr;
	_ =	strace $0xD0000000  }
0x3: {  	_ = 	snop  }
0x4: {  	_ = 	snop  }
0x5: {  	_ = 	snop  }
0x6: {  	_ = 	snop  }
0x7: {  	_ = 	snop  }
__scs_overlays_trampoline_lowered:
0x8: {  	[smem:$0x3FA7] =	sst s0  }
0x9: {  	[smem:$0x3FA8] =	sst s1  }
0xa: {  	[smem:$0x3FA9] =	sst s2  }
0xb: {  	[smem:$0x3FAA] =	sst s3  }
0xc: {  	[smem:$0x3FAB] =	sst s4  }
0xd: {  	[smem:$0x3FAC] =	sst s5  }
0xe: {  	[smem:$0x3FAD] =	sst s6  }
0xf: {  	[smem:$0x3FAE] =	sst s7  }
0x10: {  	[smem:$0x3FAF] =	sst s8  }
0x11: {  	[smem:$0x3FB0] =	sst s9;
	s0 =	simm.s32 @!p0 $0x0  }
0x12: {  	s1 =	sld [smem:$0x3F96];
	s0 =	simm.s32 @p0 $0x1  }
0x13: {  	[smem:$0x3FB1] =	sst s0;
	s0 =	simm.s32 @!p1 $0x0  }
0x14: {  	s2 =	sld [smem:$0x3F95];
	s0 =	simm.s32 @p1 $0x1  }
0x15: {  	[smem:$0x3FB2] =	sst s0;
	s0 =	simm.s32 @!p2 $0x0  }
0x16: {  	s3 =	sld [smem:$0x3FDB];
	s0 =	simm.s32 @p2 $0x1  }
0x17: {  	s4 =	simm.s32 $0x1BF5;
	[smem:$0x3FB4] =	sst s0  }
0x18: {  	s0 =	sld [smem:$0x3F97];
	_ =	swait.ge [sflag:s4], $0x0  }
0x19: {  	s7 =	sld [smem:$0x3F98]  }
0x1a: {  	s8 =	sadd.s32 $0xFFFFE003, lr  }
0x1b: {  	s9 =	sadd.s32 $0xFFFFFEF7, lr;
	s5 =	simm.s32 $0xFFFFFFFF;
	p2 =	slt.u32 s8, $0xFFFFF086  }
0x1c: {  	p1 =	slt.u32 s9, $0xF7A;
	s5 =	simm.s32 @!p2 $0x0  }
0x1d: {  	s5 =	simm.s32 @p1 $0x1;
	p0 =	seq.s32 s7, s2  }
0x1e: {  	s7 =	smul.u32 @!p0 $0xF7A, s2;
	p2 =	seq.s32 @!p0 s5, $0x0  }
0x1f: {  	s9 =	smul.u32 $0xF7A, s1;
	s8 =	simm.s32 @!p0 $0x1BF5;
	p2 =	por !p2, p0  }
0x20: {  	[sflag:s8] =	ssyncset.s32 @!p0 $0xFFFFF086;
	s6 =	sadd.s32 @!p0 s3, s7;
	s7 =	simm.s32 @!p0 $0x108  }
0x21: {  	s3 =	sadd.s32 s3, s9;
	s6 =	sadd.s32 @!p0 $0x88, s6;
	s7 =	simm.s32 @p2 $0x1082  }
0x22: {  	[simem:s7], [sflag:s8] =	dma.local @!p0 [hbm:s6], $0xF7A  }
0x23: {  	s9 =	sor.u32 $0xD0000000, s2;
	s6 =	simm.s32 $0x108;
	_ =	swait.ge @!p0 [sflag:s8], $0x0  }
0x24: {  	s3 =	sadd.s32 $0x88, s3;
	s6 =	simm.s32 @!p1 $0x1082;
	[sflag:s4] =	ssyncset.s32 $0xFFFFF086  }
0x25: {  	[simem:s6], [sflag:s4] =	dma.local [hbm:s3], $0xF7A  }
0x26: {  	[smem:$0x3F98] =	sst s1;
	(tag) =	ssettag s2;
	_ =	strace s9  }
0x27: {  	s1 =	sld [smem:$0x3FA8]  }
0x28: {  	s2 =	sld [smem:$0x3FA9]  }
0x29: {  	s4 =	sld [smem:$0x3FAB]  }
0x2a: {  	p0 =	seq.s32 s5, $0x0;
	s5 =	sld [smem:$0x3FAC]  }
0x2b: {  	s6 =	sld [smem:$0x3FAD]  }
0x2c: {  	s7 =	sld [smem:$0x3FAE]  }
0x2d: {  	s3 =	simm.s32 $0x108;
	s8 =	sld [smem:$0x3FAF]  }
0x2e: {  	s3 =	simm.s32 @!p0 $0x1082;
	s9 =	sld [smem:$0x3FB0]  }
0x2f: {  	lr =	sadd.s32 s0, s3;
	s0 =	sld [smem:$0x3FA7]  }
0x30: {  	s3 =	sld [smem:$0x3FAA]  }
0x31: {  	[smem:$0x3FB3] =	sst s10  }
0x32: {  	s10 =	sld [smem:$0x3FB1];
	_ =	sdelay $0x3  }
0x33: {  	p0 =	seq.s32 s10, $0x1;
	s10 =	sld [smem:$0x3FB3];
	_ =	sdelay $0x3  }
0x34: {  	[smem:$0x3FB3] =	sst s10  }
0x35: {  	s10 =	sld [smem:$0x3FB2];
	_ =	sdelay $0x3  }
0x36: {  	p1 =	seq.s32 s10, $0x1;
	s10 =	sld [smem:$0x3FB3];
	_ =	sdelay $0x3  }
0x37: {  	[smem:$0x3FB3] =	sst s10  }
0x38: {  	s10 =	sld [smem:$0x3FB4]  }
0x39: {  	_ = 	snop;
	(pc) =	sbr.ind lr, $3  }
0x3a: {  	_ = 	snop  }
0x3b: {  	_ = 	snop  }
0x3c: {  	p2 =	seq.s32 s10, $0x1;
	s10 =	sld [smem:$0x3FB3]  }
0x3d: {  	_ =	shalt  }
0x3e: {  	_ =	shalt  }
0x3f: {  	_ =	shalt  }
0x40: {  	_ =	shalt  }
0x41: {  	_ =	shalt  }
0x42: {  	_ =	shalt  }
0x43: {  	_ =	shalt  }
0x44: {  	_ =	shalt  }
0x45: {  	_ =	shalt  }
0x46: {  	_ =	shalt  }
0x47: {  	_ =	shalt  }
0x48: {  	_ =	shalt  }
0x49: {  	_ =	shalt  }
0x4a: {  	_ =	shalt  }
0x4b: {  	_ =	shalt  }
0x4c: {  	_ =	shalt  }
0x4d: {  	_ =	shalt  }
0x4e: {  	_ =	shalt  }
0x4f: {  	_ =	shalt  }
0x50: {  	_ =	shalt  }
0x51: {  	_ =	shalt  }
0x52: {  	_ =	shalt  }
0x53: {  	_ =	shalt  }
0x54: {  	_ =	shalt  }
0x55: {  	_ =	shalt  }
0x56: {  	_ =	shalt  }
0x57: {  	_ =	shalt  }
0x58: {  	_ =	shalt  }
0x59: {  	_ =	shalt  }
0x5a: {  	_ =	shalt  }
0x5b: {  	_ =	shalt  }
0x5c: {  	_ =	shalt  }
0x5d: {  	_ =	shalt  }
0x5e: {  	_ =	shalt  }
0x5f: {  	_ =	shalt  }
0x60: {  	_ =	shalt  }
0x61: {  	_ =	shalt  }
0x62: {  	_ =	shalt  }
0x63: {  	_ =	shalt  }
0x64: {  	_ =	shalt  }
0x65: {  	_ =	shalt  }
0x66: {  	_ =	shalt  }
0x67: {  	_ =	shalt  }
0x68: {  	_ =	shalt  }
0x69: {  	_ =	shalt  }
0x6a: {  	_ =	shalt  }
0x6b: {  	_ =	shalt  }
0x6c: {  	_ =	shalt  }
0x6d: {  	_ =	shalt  }
0x6e: {  	_ =	shalt  }
0x6f: {  	_ =	shalt  }
0x70: {  	_ =	shalt  }
0x71: {  	_ =	shalt  }
0x72: {  	_ =	shalt  }
0x73: {  	_ =	shalt  }
0x74: {  	_ =	shalt  }
0x75: {  	_ =	shalt  }
0x76: {  	_ =	shalt  }
0x77: {  	_ =	shalt  }
0x78: {  	_ =	shalt  }
0x79: {  	_ =	shalt  }
0x7a: {  	_ =	shalt  }
0x7b: {  	_ =	shalt  }
0x7c: {  	_ =	shalt  }
0x7d: {  	_ =	shalt  }
0x7e: {  	_ =	shalt  }
0x7f: {  	_ =	shalt  }
0x80: {  	_ =	shalt  }
0x81: {  	_ =	shalt  }
0x82: {  	_ =	shalt  }
0x83: {  	_ =	shalt  }
0x84: {  	_ =	shalt  }
0x85: {  	_ =	shalt  }
0x86: {  	_ =	shalt  }
0x87: {  	_ =	shalt  }
.Lfunc_end0:
.L_simem_size_0:
called_computation.1_lowered:
.L_overlay_start_0:
0x88: {  	s2 =	sld [smem:$0x3FD9]  }
0x89: {  	s3 =	sld [smem:$0x3FFE];
	_ =	sdelay $0x1  }
0x8a: {  	s1 =	srdreg.scid  }
0x8b: {  	s0 =	sand.u32 $0x1, s1  }
0x8c: {  	s14 =	sshll.u32 s0, $0xA;
	s2 =	sadd.s32 s3, s2  }
0x8d: {  	s2 =	sadd.s32 s2, s14  }
0x8e: {  	[smem:$0x3FBF] =	sst s2  }
0x8f: {  	_ = 	snop  }
0x90: {  	s2 =	sld [smem:$0x3FD0];
	_ =	sdelay $0x2  }
0x91: {  	s15 =	simm.s32 $0xA;
	s4 =	simm.s32 $0x10  }
0x92: {  	[smem:s4], [sflag:s15] =	dma.local [hbm:s2], $0x1  }
0x93: {  	_ =	swait.eq [sflag:s15], $0x1  }
0x94: {  	[sflag:s15] =	ssyncset.done $0x0  }
0x95: {  	[sflag:s15] =	ssyncadd.s32 $0xFFFFFFFF  }
0x96: {  	s16 =	sld [smem:$0x10];
	(tm) =	ssettm $0x1  }
0x97: {  	s17 =	sld [smem:$0x3FFB];
	_ =	sdelay $0x3  }
0x98: {  	_ =	strace s17  }
0x99: {  	s3 =	sld [smem:$0x3FFC];
	_ =	sdelay $0x3  }
0x9a: {  	_ =	strace s3  }
0x9b: {  	s3 =	sld [smem:$0x3FFD];
	_ =	sdelay $0x3  }
0x9c: {  	_ =	strace s3  }
0x9d: {  	_ =	strace $0x8FFFFFFF  }
0x9e: {  	s18 =	sld [smem:$0x3FDB];
	_ =	sdelay $0x1  }
0x9f: {  	s19 =	simm.s32 $_scs_section_size  }
0xa0: {  	s5 =	simm.s32 $_size__tile_overlayer_lowered;
	s6 =	simm.s32 $_tile_overlayer_lowered  }
0xa1: {  	s22 =	simm.s32 $0x1BFF;
	s21 =	sshll.u32 s6, $0x1;
	s3 =	sadd.s32 s19, s18  }
0xa2: {  	s7 =	simm.s32 $0x0;
	s20 =	sshll.u32 s5, $0x1;
	s5 =	sadd.s32 s21, s3  }
0xa3: {  	[timem:s7], [sflag:s22] =	dma.local [hbm:s5], s20  }
0xa4: {  	_ =	swait.ge [sflag:s22], s20  }
0xa5: {  	s4 =	ssub.s32 $0x0, s20;
	[sflag:s22] =	ssyncset.done $0x0  }
0xa6: {  	[sflag:s22] =	ssyncadd.s32 s4;
	_ =	sdelay $0x1  }
0xa7: {  	s23 =	simm.s32 $0x1B8B  }
0xa8: {  	_ =	swait.ge [sflag:s23], $0x1  }
0xa9: {  	[sflag:s23] =	ssyncset.done $0x0  }
0xaa: {  	s25 =	simm.s32 $0x1B8E;
	s24 =	sld [smem:$0x3FFE];
	[sflag:s23] =	ssyncadd.s32 $0xFFFFFFFF  }
0xab: {  	s26 =	simm.s32 $execute0_lowered;
	[smem:$0x3FD2] =	sst s25  }
0xac: {  	s5 =	sshll.u32 s26, $0x1;
	_ =	strace $0x80000049;
	[dreg:$0x1] =	wrdreg $0xFFFFFFFF  }
0xad: {  	s28 =	simm.s32 $_size_execute0_lowered;
	s3 =	sadd.s32 s3, s5;
	[dreg:$0x0] =	wrdreg $0x0  }
0xae: {  	s5 =	sshll.u32 s28, $0x1;
	[dreg:$0x2] =	wrdreg s3  }
0xaf: {  	[dreg:$0x3] =	wrdreg s5  }
0xb0: {  	[dreg:$0x4] =	wrdreg $0xC0  }
0xb1: {  	_ =	task [dreg:s7], $0x5FFFF  }
0xb2: {  	[dreg:$0x1] =	wrdreg $0xFFFFFFFF  }
0xb3: {  	[dreg:$0x0] =	wrdreg $0x60  }
0xb4: {  	[dreg:$0x2] =	wrdreg s24  }
0xb5: {  	[dreg:$0x3] =	wrdreg s16  }
0xb6: {  	[dreg:$0x4] =	wrdreg $0x9  }
0xb7: {  	_ =	task.clear_ibuf [dreg:s7], $0x5FFFF;
	_ =	strace $0x90000049  }
0xb8: {  	s29 =	simm.s32 $0x9;
	_ =	strace $0x8000004B  }
0xb9: {  	_ =	swait.ge [sflag:s29], $0x1  }
0xba: {  	[sflag:s29] =	ssyncadd.s32 $0xFFFFFFFF  }
0xbb: {  	_ =	strace $0x9000004B  }
0xbc: {  	_ =	sfence  }
0xbd: {  	s30 =	sld [smem:$0x0];
	_ =	sdelay $0x2  }
0xbe: {  	s31 =	sshll.u32 s1, $0xD;
	s1 =	sshrl.u32 s1, $0x2  }
0xbf: {  	s3 =	sand.u32 $0x4000, s31;
	s1 =	sadd.s32 s1, s30  }
0xc0: {  	s0 =	sor.u32 s3, s0;
	s1 =	sshll.u32 s1, $0x11  }
0xc1: {  	s0 =	sor.u32 s1, s0  }
0xc2: {  	s0 =	sadd.s32 $0x8F2B, s0  }
0xc3: {  	[sflag:s0] =	ssyncadd.remote.s32 $0x1  }
0xc4: {  	_ =	sfence.sel $0xFFFF  }
0xc5: {  	[dreg:$0x0] =	wrdreg $0xFFFFFFFF;
	(pc) =	sbr.abs _section_cstart, $3  }
0xc6: {  	[dreg:$0x1] =	wrdreg $0xFFFFFFFF  }
0xc7: {  	_ =	task.clear_ibuf [dreg:s7], $0x2FFFF;
	_ =	strace $0x9FFFFFFF  }
0xc8: {  	(tm) =	ssettm $0x7FFFFFFF  }
0xc9: {  	_ =	shalt  }
tec
execute0_lowered:
.L_overlay_start_1:
0x0: {  	(tag) =	ssettag $0x1  }
0x1: {  	s2 =	srdreg.scid;
	s1 =	rddreg [dreg:$0x0]  }
0x2: {  	s3 =	rddreg [dreg:$0x1];
	s4 =	sand.u32 $0x1, s2;
	s2 =	simm.s32 $0x0  }
0x3: {  	s20 =	simm.s32 $0x80;
	[smem:$0x7FF] =	sst s2  }
0x4: {  	s21 =	simm.s32 $0x900;
	_ =	strace $0x8000004A;
	[dreg:$0x7] =	wrdreg s20  }
0x5: {  	s22 =	simm.s32 $0x1100;
	[dreg:$0x8] =	wrdreg s21  }
0x6: {  	s23 =	simm.s32 $0x1900;
	[dreg:$0x9] =	wrdreg s22  }
0x7: {  	s24 =	simm.s32 $0x2100;
	[dreg:$0xa] =	wrdreg s23  }
0x8: {  	s25 =	simm.s32 $0x2900;
	[dreg:$0xb] =	wrdreg s24  }
0x9: {  	s0 =	stileid.u32;
	s26 =	simm.s32 $0x3100;
	[dreg:$0xc] =	wrdreg s25  }
0xa: {  	s17 =	sshll.u32 s0, $0x1;
	s0 =	simm.s32 $0x3900;
	[dreg:$0xd] =	wrdreg s26  }
0xb: {  	s8 =	simm.s32 $0x5900;
	[dreg:$0xe] =	wrdreg s0  }
0xc: {  	s9 =	simm.s32 $0x6100;
	[dreg:$0x12] =	wrdreg s8  }
0xd: {  	s10 =	simm.s32 $0x6900;
	[dreg:$0x13] =	wrdreg s9  }
0xe: {  	s11 =	simm.s32 $0x7100;
	s12 =	simm.s32 $0x7900;
	[dreg:$0x14] =	wrdreg s10  }
0xf: {  	s13 =	simm.s32 $0x8100;
	s14 =	simm.s32 $0x8900;
	[dreg:$0x15] =	wrdreg s11  }
0x10: {  	s15 =	simm.s32 $0x9100;
	s16 =	simm.s32 $0x9900;
	[dreg:$0x16] =	wrdreg s12  }
0x11: {  	s28 =	simm.s32 $0x17900;
	s29 =	simm.s32 $0x1;
	[dreg:$0x17] =	wrdreg s13  }
0x12: {  	s30 =	simm.s32 $0x2;
	s31 =	simm.s32 $0x3;
	[dreg:$0x18] =	wrdreg s14  }
0x13: {  	s5 =	sor.u32 s4, s17;
	s17 =	simm.s32 $0xA100;
	[dreg:$0x19] =	wrdreg s15  }
0x14: {  	s4 =	ssub.s32 $0x2, s4;
	s6 =	sshll.u32 s5, $0x4;
	[dreg:$0x1a] =	wrdreg s16  }
0x15: {  	s5 =	smul.u32 $0x1800, s5;
	[dreg:$0x1b] =	wrdreg s17;
	s20 =	simm.s32 $0xB100  }
0x16: {  	s21 =	simm.s32 $0xB900;
	s22 =	simm.s32 $0xC900;
	s23 =	simm.s32 $0xD100  }
0x17: {  	s24 =	simm.s32 $0xD900;
	s25 =	simm.s32 $0xE100;
	[dreg:$0x1d] =	wrdreg s20  }
0x18: {  	s8 =	simm.s32 $0x100;
	s26 =	simm.s32 $0xE900;
	[dreg:$0x1e] =	wrdreg s21  }
0x19: {  	s9 =	simm.s32 $0xC100;
	s11 =	simm.s32 $0xF900;
	[dreg:$0x1f] =	wrdreg s22  }
0x1a: {  	s12 =	simm.s32 $0x10100;
	s13 =	simm.s32 $0x10900;
	[smem:$0x7FA] =	sst s23  }
0x1b: {  	s14 =	simm.s32 $0x11100;
	s15 =	simm.s32 $0x11900;
	[smem:$0x7FB] =	sst s24  }
0x1c: {  	s16 =	simm.s32 $0x12100;
	s17 =	simm.s32 $0x12900;
	[smem:$0x7FC] =	sst s25  }
0x1d: {  	s6 =	sadd.s32 s6, s1;
	[smem:$0x7FD] =	sst s26;
	s20 =	simm.s32 $0x14100  }
0x1e: {  	s21 =	simm.s32 $0x14900;
	s22 =	simm.s32 $0x15100;
	s7 =	sadd.s32 $0x90E00, s6  }
0x1f: {  	s23 =	simm.s32 $0x15900;
	s6 =	sadd.s32 $0x91000, s6;
	[dreg:$0x3] =	wrdreg s7  }
0x20: {  	s24 =	simm.s32 $0x16100;
	s3 =	sadd.s32 s3, s5;
	[dreg:$0x4] =	wrdreg s6  }
0x21: {  	s18 =	sadd.s32 s5, s1;
	s5 =	simm.s32 $0x4100;
	[dreg:$0x5] =	wrdreg s3  }
0x22: {  	s25 =	simm.s32 $0x16900;
	s19 =	sadd.s32 $0xE00, s18;
	[dreg:$0xf] =	wrdreg s5  }
0x23: {  	s26 =	simm.s32 $0x17100;
	s6 =	simm.s32 $0x4900;
	[dreg:$0x6] =	wrdreg s19  }
0x24: {  	s7 =	simm.s32 $0x5100;
	s3 =	sadd.s32 $0x91200, s1;
	[dreg:$0x10] =	wrdreg s6  }
0x25: {  	s18 =	simm.s32 $0xA900;
	s5 =	sadd.s32 $0x91400, s1;
	[dreg:$0x11] =	wrdreg s7  }
0x26: {  	v2 =	vlaneseq.u32;
	s19 =	sshrl.u32 s4, $0x1;
	[dreg:$0x1c] =	wrdreg s18;
	s7 =	simm.s32 $0x5  }
0x27: {  	vm0 =	vmmov $0xffff;
	v1 =	vshrl.u32 v2, $0x3;
	s18 =	simm.s32 $0x13100;
	s6 =	ssub.s32 s4, s19;
	s4 =	sadd.s32 $0x91300, s1  }
0x28: {  	v0 =	vand.u32 $0x7, v2;
	v2 =	vor.u32 $0x8, v2;
	v1 =	vmul.u32 $0x8, v1;
	s19 =	simm.s32 $0x13900;
	s1 =	simm.s32 $0x4;
	s6 =	smax.u32 s6, $0x1  }
.LBB2_1:
0x29: {  	s0 =	rddreg [dreg:$0x3]  }
0x2a: {  	[tilespmem:s2], [sflag:$0x5] =	stream.linear.gather [hbm4b:s0+s2], $0x80, $0x38;
	[tilespmem:$0x18100] =	vst v63  }
0x2b: {  	_ =	swait.ge [sflag:s7], $0x80  }
0x2c: {  	s0 =	rddreg [dreg:$0x4];
	[sflag:s7] =	ssyncset.done $0x0  }
0x2d: {  	s10 =	rddreg [dreg:$0x7];
	[sflag:s7] =	ssyncadd.s32 $0xFFFFFF80  }
0x2e: {  	[tilespmem:s10], [sflag:$0x5] =	stream.linear.gather [hbm4b:s0+s2], $0x80, $0x38;
	[tilespmem:$0x18100] =	vst v63  }
0x2f: {  	_ =	swait.ge [sflag:s7], $0x80  }
0x30: {  	[sflag:s7] =	ssyncset.done $0x0  }
0x31: {  	[sflag:s7] =	ssyncadd.s32 $0xFFFFFF80  }
0x32: {  	v3 =	vld [tilespmem:$0x0];
	_ =	sdelay $0x4  }
0x33: {  	v4 =	vshrl.u32 v3, $0x3  }
0x34: {  	v4 =	vmul.u32 $0x30, v4  }
0x35: {  	v3 =	vand.u32 $0x7, v3  }
0x36: {  	v3 =	vor.u32 v3, v4  }
0x37: {  	v4 =	vperm.xlane v3, v0;
	_ =	sdelay $0x1  }
0x38: {  	v4 =	vadd.s32 v1, v4;
	_ =	sdelay $0x3  }
0x39: {  	v3 =	vperm.xlane v3, v2  }
0x3a: {  	[tilespmem:s8], [sflag:$0x1] =	stream.indirect_vreg.gather [hbm4b:s3+s2], $0x80, v4, vm0, $0xb8;
	[tilespmem:$0x18100] =	vst v63  }
0x3b: {  	s0 =	rddreg [dreg:$0x8];
	v3 =	vadd.s32 v1, v3  }
0x3c: {  	[tilespmem:s0], [sflag:$0x1] =	stream.indirect_vreg.gather [hbm4b:s4+s2], $0x80, v4, vm0, $0xb8;
	[tilespmem:$0x18100] =	vst v63  }
0x3d: {  	s10 =	rddreg [dreg:$0x9]  }
0x3e: {  	[tilespmem:s10], [sflag:$0x1] =	stream.indirect_vreg.gather [hbm4b:s5+s2], $0x80, v4, vm0, $0xb8;
	[tilespmem:$0x18100] =	vst v63  }
0x3f: {  	s0 =	rddreg [dreg:$0xa]  }
0x40: {  	[tilespmem:s0], [sflag:$0x1] =	stream.indirect_vreg.gather [hbm4b:s3+s2], $0x80, v3, vm0, $0xb8;
	[tilespmem:$0x18100] =	vst v63  }
0x41: {  	s10 =	rddreg [dreg:$0xb]  }
0x42: {  	[tilespmem:s10], [sflag:$0x1] =	stream.indirect_vreg.gather [hbm4b:s4+s2], $0x80, v3, vm0, $0xb8;
	[tilespmem:$0x18100] =	vst v63  }
0x43: {  	s0 =	rddreg [dreg:$0xc]  }
0x44: {  	[tilespmem:s0], [sflag:$0x1] =	stream.indirect_vreg.gather [hbm4b:s5+s2], $0x80, v3, vm0, $0xb8;
	[tilespmem:$0x18100] =	vst v63  }
0x45: {  	v3 =	vld [tilespmem:$0x10];
	_ =	sdelay $0x4  }
0x46: {  	v57 =	vshrl.u32 v3, $0x3  }
0x47: {  	v4 =	vmul.u32 $0x30, v57  }
0x48: {  	v3 =	vand.u32 $0x7, v3  }
0x49: {  	v3 =	vor.u32 v3, v4  }
0x4a: {  	v4 =	vperm.xlane v3, v0;
	_ =	sdelay $0x1  }
0x4b: {  	v4 =	vadd.s32 v1, v4;
	_ =	sdelay $0x3  }
0x4c: {  	s0 =	rddreg [dreg:$0xd];
	v3 =	vperm.xlane v3, v2  }
0x4d: {  	[tilespmem:s0], [sflag:$0x1] =	stream.indirect_vreg.gather [hbm4b:s3+s2], $0x80, v4, vm0, $0xb8;
	[tilespmem:$0x18100] =	vst v63  }
0x4e: {  	s10 =	rddreg [dreg:$0xe];
	v3 =	vadd.s32 v1, v3  }
0x4f: {  	[tilespmem:s10], [sflag:$0x1] =	stream.indirect_vreg.gather [hbm4b:s4+s2], $0x80, v4, vm0, $0xb8;
	[tilespmem:$0x18100] =	vst v63  }
0x50: {  	s0 =	rddreg [dreg:$0xf]  }
0x51: {  	[tilespmem:s0], [sflag:$0x1] =	stream.indirect_vreg.gather [hbm4b:s5+s2], $0x80, v4, vm0, $0xb8;
	[tilespmem:$0x18100] =	vst v63  }
0x52: {  	s10 =	rddreg [dreg:$0x10]  }
0x53: {  	[tilespmem:s10], [sflag:$0x1] =	stream.indirect_vreg.gather [hbm4b:s3+s2], $0x80, v3, vm0, $0xb8;
	[tilespmem:$0x18100] =	vst v63  }
0x54: {  	s0 =	rddreg [dreg:$0x11]  }
0x55: {  	[tilespmem:s0], [sflag:$0x1] =	stream.indirect_vreg.gather [hbm4b:s4+s2], $0x80, v3, vm0, $0xb8;
	[tilespmem:$0x18100] =	vst v63  }
0x56: {  	s10 =	rddreg [dreg:$0x12]  }
0x57: {  	[tilespmem:s10], [sflag:$0x1] =	stream.indirect_vreg.gather [hbm4b:s5+s2], $0x80, v3, vm0, $0xb8;
	[tilespmem:$0x18100] =	vst v63  }
0x58: {  	v3 =	vld [tilespmem:$0x20];
	_ =	sdelay $0x4  }
0x59: {  	v58 =	vshrl.u32 v3, $0x3  }
0x5a: {  	v4 =	vmul.u32 $0x30, v58  }
0x5b: {  	v3 =	vand.u32 $0x7, v3  }
0x5c: {  	v3 =	vor.u32 v3, v4  }
0x5d: {  	v4 =	vperm.xlane v3, v0;
	_ =	sdelay $0x1  }
0x5e: {  	v4 =	vadd.s32 v1, v4;
	_ =	sdelay $0x3  }
0x5f: {  	s0 =	rddreg [dreg:$0x13];
	v3 =	vperm.xlane v3, v2  }
0x60: {  	[tilespmem:s0], [sflag:$0x1] =	stream.indirect_vreg.gather [hbm4b:s3+s2], $0x80, v4, vm0, $0xb8;
	[tilespmem:$0x18100] =	vst v63  }
0x61: {  	s10 =	rddreg [dreg:$0x14];
	v3 =	vadd.s32 v1, v3  }
0x62: {  	[tilespmem:s10], [sflag:$0x1] =	stream.indirect_vreg.gather [hbm4b:s4+s2], $0x80, v4, vm0, $0xb8;
	[tilespmem:$0x18100] =	vst v63  }
0x63: {  	s0 =	rddreg [dreg:$0x15]  }
0x64: {  	[tilespmem:s0], [sflag:$0x1] =	stream.indirect_vreg.gather [hbm4b:s5+s2], $0x80, v4, vm0, $0xb8;
	[tilespmem:$0x18100] =	vst v63  }
0x65: {  	s10 =	rddreg [dreg:$0x16]  }
0x66: {  	[tilespmem:s10], [sflag:$0x1] =	stream.indirect_vreg.gather [hbm4b:s3+s2], $0x80, v3, vm0, $0xb8;
	[tilespmem:$0x18100] =	vst v63  }
0x67: {  	s0 =	rddreg [dreg:$0x17]  }
0x68: {  	[tilespmem:s0], [sflag:$0x1] =	stream.indirect_vreg.gather [hbm4b:s4+s2], $0x80, v3, vm0, $0xb8;
	[tilespmem:$0x18100] =	vst v63  }
0x69: {  	s10 =	rddreg [dreg:$0x18]  }
0x6a: {  	[tilespmem:s10], [sflag:$0x1] =	stream.indirect_vreg.gather [hbm4b:s5+s2], $0x80, v3, vm0, $0xb8;
	[tilespmem:$0x18100] =	vst v63  }
0x6b: {  	v3 =	vld [tilespmem:$0x30];
	_ =	sdelay $0x4  }
0x6c: {  	v59 =	vshrl.u32 v3, $0x3  }
0x6d: {  	v4 =	vmul.u32 $0x30, v59  }
0x6e: {  	v3 =	vand.u32 $0x7, v3  }
0x6f: {  	v3 =	vor.u32 v3, v4  }
0x70: {  	v4 =	vperm.xlane v3, v0;
	_ =	sdelay $0x1  }
0x71: {  	v4 =	vadd.s32 v1, v4;
	_ =	sdelay $0x3  }
0x72: {  	s0 =	rddreg [dreg:$0x19];
	v3 =	vperm.xlane v3, v2  }
0x73: {  	[tilespmem:s0], [sflag:$0x1] =	stream.indirect_vreg.gather [hbm4b:s3+s2], $0x80, v4, vm0, $0xb8;
	[tilespmem:$0x18100] =	vst v63  }
0x74: {  	s10 =	rddreg [dreg:$0x1a];
	v3 =	vadd.s32 v1, v3  }
0x75: {  	[tilespmem:s10], [sflag:$0x1] =	stream.indirect_vreg.gather [hbm4b:s4+s2], $0x80, v4, vm0, $0xb8;
	[tilespmem:$0x18100] =	vst v63  }
0x76: {  	s0 =	rddreg [dreg:$0x1b]  }
0x77: {  	[tilespmem:s0], [sflag:$0x1] =	stream.indirect_vreg.gather [hbm4b:s5+s2], $0x80, v4, vm0, $0xb8;
	[tilespmem:$0x18100] =	vst v63  }
0x78: {  	s10 =	rddreg [dreg:$0x1c]  }
0x79: {  	[tilespmem:s10], [sflag:$0x1] =	stream.indirect_vreg.gather [hbm4b:s3+s2], $0x80, v3, vm0, $0xb8;
	[tilespmem:$0x18100] =	vst v63  }
0x7a: {  	s0 =	rddreg [dreg:$0x1d]  }
0x7b: {  	[tilespmem:s0], [sflag:$0x1] =	stream.indirect_vreg.gather [hbm4b:s4+s2], $0x80, v3, vm0, $0xb8;
	[tilespmem:$0x18100] =	vst v63  }
0x7c: {  	s10 =	rddreg [dreg:$0x1e]  }
0x7d: {  	[tilespmem:s10], [sflag:$0x1] =	stream.indirect_vreg.gather [hbm4b:s5+s2], $0x80, v3, vm0, $0xb8;
	[tilespmem:$0x18100] =	vst v63  }
0x7e: {  	v3 =	vld [tilespmem:$0x80];
	_ =	sdelay $0x4  }
0x7f: {  	v60 =	vshrl.u32 v3, $0x3  }
0x80: {  	v4 =	vmul.u32 $0x30, v60  }
0x81: {  	v3 =	vand.u32 $0x7, v3  }
0x82: {  	v3 =	vor.u32 v3, v4  }
0x83: {  	v4 =	vperm.xlane v3, v0;
	_ =	sdelay $0x1  }
0x84: {  	v4 =	vadd.s32 v1, v4;
	_ =	sdelay $0x3  }
0x85: {  	s0 =	rddreg [dreg:$0x1f];
	v3 =	vperm.xlane v3, v2  }
0x86: {  	[tilespmem:s9], [sflag:$0x2] =	stream.indirect_vreg.gather [hbm4b:s3+s2], $0x80, v4, vm0, $0xb8;
	[tilespmem:$0x18100] =	vst v63  }
0x87: {  	s10 =	sld [smem:$0x7FA];
	v3 =	vadd.s32 v1, v3  }
0x88: {  	[tilespmem:s0], [sflag:$0x2] =	stream.indirect_vreg.gather [hbm4b:s4+s2], $0x80, v4, vm0, $0xb8;
	[tilespmem:$0x18100] =	vst v63  }
0x89: {  	s0 =	sld [smem:$0x7FB]  }
0x8a: {  	[tilespmem:s10], [sflag:$0x2] =	stream.indirect_vreg.gather [hbm4b:s5+s2], $0x80, v4, vm0, $0xb8;
	[tilespmem:$0x18100] =	vst v63  }
0x8b: {  	s10 =	sld [smem:$0x7FC]  }
0x8c: {  	[tilespmem:s0], [sflag:$0x2] =	stream.indirect_vreg.gather [hbm4b:s3+s2], $0x80, v3, vm0, $0xb8;
	[tilespmem:$0x18100] =	vst v63  }
0x8d: {  	s0 =	sld [smem:$0x7FD]  }
0x8e: {  	[tilespmem:s10], [sflag:$0x2] =	stream.indirect_vreg.gather [hbm4b:s4+s2], $0x80, v3, vm0, $0xb8;
	[tilespmem:$0x18100] =	vst v63  }
0x8f: {  	_ = 	snop  }
0x90: {  	[tilespmem:s0], [sflag:$0x2] =	stream.indirect_vreg.gather [hbm4b:s5+s2], $0x80, v3, vm0, $0xb8;
	[tilespmem:$0x18100] =	vst v63  }
0x91: {  	v3 =	vld [tilespmem:$0x90];
	_ =	sdelay $0x4  }
0x92: {  	v61 =	vshrl.u32 v3, $0x3  }
0x93: {  	v4 =	vmul.u32 $0x30, v61  }
0x94: {  	v3 =	vand.u32 $0x7, v3  }
0x95: {  	v3 =	vor.u32 v3, v4  }
0x96: {  	v4 =	vperm.xlane v3, v0;
	_ =	sdelay $0x1  }
0x97: {  	v4 =	vadd.s32 v1, v4;
	_ =	sdelay $0x3  }
0x98: {  	s10 =	simm.s32 $0xF100;
	v3 =	vperm.xlane v3, v2  }
0x99: {  	[tilespmem:s10], [sflag:$0x2] =	stream.indirect_vreg.gather [hbm4b:s3+s2], $0x80, v4, vm0, $0xb8;
	[tilespmem:$0x18100] =	vst v63  }
0x9a: {  	v3 =	vadd.s32 v1, v3  }
0x9b: {  	[tilespmem:s11], [sflag:$0x2] =	stream.indirect_vreg.gather [hbm4b:s4+s2], $0x80, v4, vm0, $0xb8;
	[tilespmem:$0x18100] =	vst v63  }
0x9c: {  	_ = 	snop  }
0x9d: {  	[tilespmem:s12], [sflag:$0x2] =	stream.indirect_vreg.gather [hbm4b:s5+s2], $0x80, v4, vm0, $0xb8;
	[tilespmem:$0x18100] =	vst v63  }
0x9e: {  	_ = 	snop  }
0x9f: {  	[tilespmem:s13], [sflag:$0x2] =	stream.indirect_vreg.gather [hbm4b:s3+s2], $0x80, v3, vm0, $0xb8;
	[tilespmem:$0x18100] =	vst v63  }
0xa0: {  	_ = 	snop  }
0xa1: {  	[tilespmem:s14], [sflag:$0x2] =	stream.indirect_vreg.gather [hbm4b:s4+s2], $0x80, v3, vm0, $0xb8;
	[tilespmem:$0x18100] =	vst v63  }
0xa2: {  	_ = 	snop  }
0xa3: {  	[tilespmem:s15], [sflag:$0x2] =	stream.indirect_vreg.gather [hbm4b:s5+s2], $0x80, v3, vm0, $0xb8;
	[tilespmem:$0x18100] =	vst v63  }
0xa4: {  	v3 =	vld [tilespmem:$0xA0];
	_ =	sdelay $0x4  }
0xa5: {  	v62 =	vshrl.u32 v3, $0x3  }
0xa6: {  	v4 =	vmul.u32 $0x30, v62  }
0xa7: {  	v3 =	vand.u32 $0x7, v3  }
0xa8: {  	v3 =	vor.u32 v3, v4  }
0xa9: {  	v4 =	vperm.xlane v3, v0;
	_ =	sdelay $0x1  }
0xaa: {  	v4 =	vadd.s32 v1, v4;
	_ =	sdelay $0x3  }
0xab: {  	v3 =	vperm.xlane v3, v2  }
0xac: {  	[tilespmem:s16], [sflag:$0x2] =	stream.indirect_vreg.gather [hbm4b:s3+s2], $0x80, v4, vm0, $0xb8;
	[tilespmem:$0x18100] =	vst v63  }
0xad: {  	v3 =	vadd.s32 v1, v3  }
0xae: {  	[tilespmem:s17], [sflag:$0x2] =	stream.indirect_vreg.gather [hbm4b:s4+s2], $0x80, v4, vm0, $0xb8;
	[tilespmem:$0x18100] =	vst v63  }
0xaf: {  	_ = 	snop  }
0xb0: {  	[tilespmem:s18], [sflag:$0x2] =	stream.indirect_vreg.gather [hbm4b:s5+s2], $0x80, v4, vm0, $0xb8;
	[tilespmem:$0x18100] =	vst v63  }
0xb1: {  	_ = 	snop  }
0xb2: {  	[tilespmem:s19], [sflag:$0x2] =	stream.indirect_vreg.gather [hbm4b:s3+s2], $0x80, v3, vm0, $0xb8;
	[tilespmem:$0x18100] =	vst v63  }
0xb3: {  	_ = 	snop  }
0xb4: {  	[tilespmem:s20], [sflag:$0x2] =	stream.indirect_vreg.gather [hbm4b:s4+s2], $0x80, v3, vm0, $0xb8;
	[tilespmem:$0x18100] =	vst v63  }
0xb5: {  	_ = 	snop  }
0xb6: {  	[tilespmem:s21], [sflag:$0x2] =	stream.indirect_vreg.gather [hbm4b:s5+s2], $0x80, v3, vm0, $0xb8;
	[tilespmem:$0x18100] =	vst v63  }
0xb7: {  	v3 =	vld [tilespmem:$0xB0];
	_ =	sdelay $0x4  }
0xb8: {  	v63 =	vshrl.u32 v3, $0x3  }
0xb9: {  	v4 =	vmul.u32 $0x30, v63  }
0xba: {  	v3 =	vand.u32 $0x7, v3  }
0xbb: {  	v3 =	vor.u32 v3, v4  }
0xbc: {  	v4 =	vperm.xlane v3, v0;
	_ =	sdelay $0x1  }
0xbd: {  	v4 =	vadd.s32 v1, v4;
	_ =	sdelay $0x3  }
0xbe: {  	v3 =	vperm.xlane v3, v2  }
0xbf: {  	[tilespmem:s22], [sflag:$0x2] =	stream.indirect_vreg.gather [hbm4b:s3+s2], $0x80, v4, vm0, $0xb8;
	[tilespmem:$0x18100] =	vst v63  }
0xc0: {  	v3 =	vadd.s32 v1, v3  }
0xc1: {  	[tilespmem:s23], [sflag:$0x2] =	stream.indirect_vreg.gather [hbm4b:s4+s2], $0x80, v4, vm0, $0xb8;
	[tilespmem:$0x18100] =	vst v63  }
0xc2: {  	_ = 	snop  }
0xc3: {  	[tilespmem:s24], [sflag:$0x2] =	stream.indirect_vreg.gather [hbm4b:s5+s2], $0x80, v4, vm0, $0xb8;
	[tilespmem:$0x18100] =	vst v63  }
0xc4: {  	_ = 	snop  }
0xc5: {  	[tilespmem:s25], [sflag:$0x2] =	stream.indirect_vreg.gather [hbm4b:s3+s2], $0x80, v3, vm0, $0xb8;
	[tilespmem:$0x18100] =	vst v63  }
0xc6: {  	_ = 	snop  }
0xc7: {  	[tilespmem:s26], [sflag:$0x2] =	stream.indirect_vreg.gather [hbm4b:s4+s2], $0x80, v3, vm0, $0xb8;
	[tilespmem:$0x18100] =	vst v63  }
0xc8: {  	_ = 	snop  }
0xc9: {  	[tilespmem:s28], [sflag:$0x2] =	stream.indirect_vreg.gather [hbm4b:s5+s2], $0x80, v3, vm0, $0xb8;
	[tilespmem:$0x18100] =	vst v63  }
0xca: {  	_ =	swait.ge [sflag:s29], $0xC000  }
0xcb: {  	[sflag:s29] =	ssyncset.done $0x0  }
0xcc: {  	s10 =	rddreg [dreg:$0x5];
	[sflag:s29] =	ssyncadd.s32 $0xFFFF4000  }
0xcd: {  	[hbm4b:s10+s2] =	stream.linear.scatter [tilespmem:s8], [sflag:$0x3], $0xC000, $0x38;
	[tilespmem:$0x18100] =	vst v63  }
0xce: {  	_ =	swait.ge [sflag:s30], $0xC000  }
0xcf: {  	[sflag:s30] =	ssyncset.done $0x0  }
0xd0: {  	s10 =	rddreg [dreg:$0x6];
	[sflag:s30] =	ssyncadd.s32 $0xFFFF4000  }
0xd1: {  	[hbm4b:s10+s2] =	stream.linear.scatter [tilespmem:s9], [sflag:$0x4], $0xC000, $0x38;
	[tilespmem:$0x18100] =	vst v63  }
0xd2: {  	p0 =	sne.s32 s6, $0x1;
	_ =	swait.ge [sflag:s31], $0xC000  }
.Ltmp0:
0xd3: {  	[sflag:s31] =	ssyncset.done $0x0;
	(pc) =	sbr.rel @p0 .LBB2_1-.Ltmp0, $4  }
0xd4: {  	[sflag:s31] =	ssyncadd.s32 $0xFFFF4000  }
0xd5: {  	_ =	swait.ge [sflag:s1], $0xC000  }
0xd6: {  	[sflag:s1] =	ssyncset.done $0x0  }
0xd7: {  	s6 =	sadd.s32 $0xFFFFFFFF, s6;
	[sflag:s1] =	ssyncadd.s32 $0xFFFF4000  }
0xd8: {  	_ =	sfence.sel $0x180000  }
0xd9: {  	[bflag:$0x0] =	sbarrier.arrive $0xFFFF  }
0xda: {  	_ =	strace $0x9000004A  }
0xdb: {  	s0 =	stileid.u32;
	[bflag:$0x2] =	sbarrier.arrive $0xFFFF  }
0xdc: {  	p0 =	sne.s32 s0, $0x0;
	s0 =	rddreg [dreg:$0x2]  }
0xdd: {  	s0 =	sadd.s32 @!p0 $0x100000, s0  }
0xde: {  	[sflag:s0] =	ssyncadd.tile.s32 @!p0 $0x1;
	_ =	shalt  }
.Lfunc_end2:
_tile_overlayer_lowered:
.L_overlay_start_2:
0xdf: {  	(tag) =	ssettag $0x2  }
0xe0: {  	s0 =	rddreg [dreg:$0x0];
	s2 =	stileid.u32  }
0xe1: {  	s1 =	rddreg [dreg:$0x1];
	p0 =	sne.s32 s2, $0x0  }
0xe2: {  	s3 =	rddreg [dreg:$0x2];
	[bflag:$0x3] =	sbarrier.arrive $0xFFFF;
	s2 =	simm.s32 @!p0 $0x1C05  }
0xe3: {  	[timem:s3], [sflag:s2] =	dma.local @!p0 [hbm:s0], s1  }
0xe4: {  	s0 =	simm.s32 @!p0 $0x5  }
0xe5: {  	_ =	swait.ge @!p0 [sflag:s0], s1  }
0xe6: {  	s1 =	ssub.s32 @!p0 $0x0, s1;
	[sflag:s0] =	ssyncset.done @!p0 $0x0  }
0xe7: {  	[sflag:s0] =	ssyncadd.s32 @!p0 s1  }
0xe8: {  	[bflag:$0x3] =	sbarrier.arrive $0xFFFF  }
0xe9: {  	_ =	shalt  }

// kernel: kernel.8.cloned.1.call-start
scs
__scs_entry_jumppad:
0x0: {  	(pc) =	sbr.rel $0x88, $3  }
0x1: {  	(tag) =	ssettag $0x0;
	lr =	simm.s32 $0x1  }
0x2: {  	[smem:$0x3F98] =	sst lr;
	_ =	strace $0xD0000000  }
0x3: {  	_ = 	snop  }
0x4: {  	_ = 	snop  }
0x5: {  	_ = 	snop  }
0x6: {  	_ = 	snop  }
0x7: {  	_ = 	snop  }
__scs_overlays_trampoline_lowered:
0x8: {  	[smem:$0x3FA7] =	sst s0  }
0x9: {  	[smem:$0x3FA8] =	sst s1  }
0xa: {  	[smem:$0x3FA9] =	sst s2  }
0xb: {  	[smem:$0x3FAA] =	sst s3  }
0xc: {  	[smem:$0x3FAB] =	sst s4  }
0xd: {  	[smem:$0x3FAC] =	sst s5  }
0xe: {  	[smem:$0x3FAD] =	sst s6  }
0xf: {  	[smem:$0x3FAE] =	sst s7  }
0x10: {  	[smem:$0x3FAF] =	sst s8  }
0x11: {  	[smem:$0x3FB0] =	sst s9;
	s0 =	simm.s32 @!p0 $0x0  }
0x12: {  	s1 =	sld [smem:$0x3F96];
	s0 =	simm.s32 @p0 $0x1  }
0x13: {  	[smem:$0x3FB1] =	sst s0;
	s0 =	simm.s32 @!p1 $0x0  }
0x14: {  	s2 =	sld [smem:$0x3F95];
	s0 =	simm.s32 @p1 $0x1  }
0x15: {  	[smem:$0x3FB2] =	sst s0;
	s0 =	simm.s32 @!p2 $0x0  }
0x16: {  	s3 =	sld [smem:$0x3FDB];
	s0 =	simm.s32 @p2 $0x1  }
0x17: {  	s4 =	simm.s32 $0x1BF5;
	[smem:$0x3FB4] =	sst s0  }
0x18: {  	s0 =	sld [smem:$0x3F97];
	_ =	swait.ge [sflag:s4], $0x0  }
0x19: {  	s7 =	sld [smem:$0x3F98]  }
0x1a: {  	s8 =	sadd.s32 $0xFFFFE003, lr  }
0x1b: {  	s9 =	sadd.s32 $0xFFFFFEF7, lr;
	s5 =	simm.s32 $0xFFFFFFFF;
	p2 =	slt.u32 s8, $0xFFFFF086  }
0x1c: {  	p1 =	slt.u32 s9, $0xF7A;
	s5 =	simm.s32 @!p2 $0x0  }
0x1d: {  	s5 =	simm.s32 @p1 $0x1;
	p0 =	seq.s32 s7, s2  }
0x1e: {  	s7 =	smul.u32 @!p0 $0xF7A, s2;
	p2 =	seq.s32 @!p0 s5, $0x0  }
0x1f: {  	s9 =	smul.u32 $0xF7A, s1;
	s8 =	simm.s32 @!p0 $0x1BF5;
	p2 =	por !p2, p0  }
0x20: {  	[sflag:s8] =	ssyncset.s32 @!p0 $0xFFFFF086;
	s6 =	sadd.s32 @!p0 s3, s7;
	s7 =	simm.s32 @!p0 $0x108  }
0x21: {  	s3 =	sadd.s32 s3, s9;
	s6 =	sadd.s32 @!p0 $0x88, s6;
	s7 =	simm.s32 @p2 $0x1082  }
0x22: {  	[simem:s7], [sflag:s8] =	dma.local @!p0 [hbm:s6], $0xF7A  }
0x23: {  	s9 =	sor.u32 $0xD0000000, s2;
	s6 =	simm.s32 $0x108;
	_ =	swait.ge @!p0 [sflag:s8], $0x0  }
0x24: {  	s3 =	sadd.s32 $0x88, s3;
	s6 =	simm.s32 @!p1 $0x1082;
	[sflag:s4] =	ssyncset.s32 $0xFFFFF086  }
0x25: {  	[simem:s6], [sflag:s4] =	dma.local [hbm:s3], $0xF7A  }
0x26: {  	[smem:$0x3F98] =	sst s1;
	(tag) =	ssettag s2;
	_ =	strace s9  }
0x27: {  	s1 =	sld [smem:$0x3FA8]  }
0x28: {  	s2 =	sld [smem:$0x3FA9]  }
0x29: {  	s4 =	sld [smem:$0x3FAB]  }
0x2a: {  	p0 =	seq.s32 s5, $0x0;
	s5 =	sld [smem:$0x3FAC]  }
0x2b: {  	s6 =	sld [smem:$0x3FAD]  }
0x2c: {  	s7 =	sld [smem:$0x3FAE]  }
0x2d: {  	s3 =	simm.s32 $0x108;
	s8 =	sld [smem:$0x3FAF]  }
0x2e: {  	s3 =	simm.s32 @!p0 $0x1082;
	s9 =	sld [smem:$0x3FB0]  }
0x2f: {  	lr =	sadd.s32 s0, s3;
	s0 =	sld [smem:$0x3FA7]  }
0x30: {  	s3 =	sld [smem:$0x3FAA]  }
0x31: {  	[smem:$0x3FB3] =	sst s10  }
0x32: {  	s10 =	sld [smem:$0x3FB1];
	_ =	sdelay $0x3  }
0x33: {  	p0 =	seq.s32 s10, $0x1;
	s10 =	sld [smem:$0x3FB3];
	_ =	sdelay $0x3  }
0x34: {  	[smem:$0x3FB3] =	sst s10  }
0x35: {  	s10 =	sld [smem:$0x3FB2];
	_ =	sdelay $0x3  }
0x36: {  	p1 =	seq.s32 s10, $0x1;
	s10 =	sld [smem:$0x3FB3];
	_ =	sdelay $0x3  }
0x37: {  	[smem:$0x3FB3] =	sst s10  }
0x38: {  	s10 =	sld [smem:$0x3FB4]  }
0x39: {  	_ = 	snop;
	(pc) =	sbr.ind lr, $3  }
0x3a: {  	_ = 	snop  }
0x3b: {  	_ = 	snop  }
0x3c: {  	p2 =	seq.s32 s10, $0x1;
	s10 =	sld [smem:$0x3FB3]  }
0x3d: {  	_ =	shalt  }
0x3e: {  	_ =	shalt  }
0x3f: {  	_ =	shalt  }
0x40: {  	_ =	shalt  }
0x41: {  	_ =	shalt  }
0x42: {  	_ =	shalt  }
0x43: {  	_ =	shalt  }
0x44: {  	_ =	shalt  }
0x45: {  	_ =	shalt  }
0x46: {  	_ =	shalt  }
0x47: {  	_ =	shalt  }
0x48: {  	_ =	shalt  }
0x49: {  	_ =	shalt  }
0x4a: {  	_ =	shalt  }
0x4b: {  	_ =	shalt  }
0x4c: {  	_ =	shalt  }
0x4d: {  	_ =	shalt  }
0x4e: {  	_ =	shalt  }
0x4f: {  	_ =	shalt  }
0x50: {  	_ =	shalt  }
0x51: {  	_ =	shalt  }
0x52: {  	_ =	shalt  }
0x53: {  	_ =	shalt  }
0x54: {  	_ =	shalt  }
0x55: {  	_ =	shalt  }
0x56: {  	_ =	shalt  }
0x57: {  	_ =	shalt  }
0x58: {  	_ =	shalt  }
0x59: {  	_ =	shalt  }
0x5a: {  	_ =	shalt  }
0x5b: {  	_ =	shalt  }
0x5c: {  	_ =	shalt  }
0x5d: {  	_ =	shalt  }
0x5e: {  	_ =	shalt  }
0x5f: {  	_ =	shalt  }
0x60: {  	_ =	shalt  }
0x61: {  	_ =	shalt  }
0x62: {  	_ =	shalt  }
0x63: {  	_ =	shalt  }
0x64: {  	_ =	shalt  }
0x65: {  	_ =	shalt  }
0x66: {  	_ =	shalt  }
0x67: {  	_ =	shalt  }
0x68: {  	_ =	shalt  }
0x69: {  	_ =	shalt  }
0x6a: {  	_ =	shalt  }
0x6b: {  	_ =	shalt  }
0x6c: {  	_ =	shalt  }
0x6d: {  	_ =	shalt  }
0x6e: {  	_ =	shalt  }
0x6f: {  	_ =	shalt  }
0x70: {  	_ =	shalt  }
0x71: {  	_ =	shalt  }
0x72: {  	_ =	shalt  }
0x73: {  	_ =	shalt  }
0x74: {  	_ =	shalt  }
0x75: {  	_ =	shalt  }
0x76: {  	_ =	shalt  }
0x77: {  	_ =	shalt  }
0x78: {  	_ =	shalt  }
0x79: {  	_ =	shalt  }
0x7a: {  	_ =	shalt  }
0x7b: {  	_ =	shalt  }
0x7c: {  	_ =	shalt  }
0x7d: {  	_ =	shalt  }
0x7e: {  	_ =	shalt  }
0x7f: {  	_ =	shalt  }
0x80: {  	_ =	shalt  }
0x81: {  	_ =	shalt  }
0x82: {  	_ =	shalt  }
0x83: {  	_ =	shalt  }
0x84: {  	_ =	shalt  }
0x85: {  	_ =	shalt  }
0x86: {  	_ =	shalt  }
0x87: {  	_ =	shalt  }
.Lfunc_end0:
.L_simem_size_0:
called_computation_lowered:
.L_overlay_start_0:
0x88: {  	s2 =	sld [smem:$0x3FD9]  }
0x89: {  	s3 =	sld [smem:$0x3FFE];
	_ =	sdelay $0x1  }
0x8a: {  	s1 =	srdreg.scid  }
0x8b: {  	s0 =	sand.u32 $0x1, s1  }
0x8c: {  	s14 =	sshll.u32 s0, $0xA;
	s2 =	sadd.s32 s3, s2  }
0x8d: {  	s2 =	sadd.s32 s2, s14  }
0x8e: {  	[smem:$0x3FBF] =	sst s2  }
0x8f: {  	_ = 	snop  }
0x90: {  	s2 =	sld [smem:$0x3FD0];
	_ =	sdelay $0x2  }
0x91: {  	s4 =	simm.s32 $0xA;
	s5 =	simm.s32 $0x10;
	s15 =	sld [smem:$0x3FC9]  }
0x92: {  	[smem:s5], [sflag:s4] =	dma.local [hbm:s2], $0x1  }
0x93: {  	_ =	swait.eq [sflag:s4], $0x1  }
0x94: {  	[sflag:s4] =	ssyncset.done $0x0  }
0x95: {  	s16 =	sld [smem:$0x10];
	[sflag:s4] =	ssyncadd.s32 $0xFFFFFFFF  }
0x96: {  	s17 =	sld [smem:$0x11];
	(tm) =	ssettm $0x1  }
0x97: {  	s18 =	sld [smem:$0x3FFB];
	_ =	sdelay $0x3  }
0x98: {  	_ =	strace s18  }
0x99: {  	s5 =	sld [smem:$0x3FFC];
	_ =	sdelay $0x3  }
0x9a: {  	_ =	strace s5  }
0x9b: {  	s5 =	sld [smem:$0x3FFD];
	_ =	sdelay $0x3  }
0x9c: {  	_ =	strace s5  }
0x9d: {  	_ =	strace $0x8FFFFFFF  }
0x9e: {  	s19 =	sld [smem:$0x3FDB];
	_ =	sdelay $0x1  }
0x9f: {  	s6 =	simm.s32 $_scs_section_size  }
0xa0: {  	s7 =	simm.s32 $_size__tile_overlayer_lowered;
	s8 =	simm.s32 $_tile_overlayer_lowered  }
0xa1: {  	s22 =	simm.s32 $0x1BFF;
	s21 =	sshll.u32 s8, $0x1;
	s5 =	sadd.s32 s6, s19  }
0xa2: {  	s9 =	simm.s32 $0x0;
	s20 =	sshll.u32 s7, $0x1;
	s7 =	sadd.s32 s21, s5  }
0xa3: {  	[timem:s9], [sflag:s22] =	dma.local [hbm:s7], s20  }
0xa4: {  	_ =	swait.ge [sflag:s22], s20  }
0xa5: {  	s6 =	ssub.s32 $0x0, s20;
	[sflag:s22] =	ssyncset.done $0x0  }
0xa6: {  	[sflag:s22] =	ssyncadd.s32 s6;
	_ =	sdelay $0x1  }
0xa7: {  	s23 =	simm.s32 $0x1B8B  }
0xa8: {  	_ =	swait.ge [sflag:s23], $0x1  }
0xa9: {  	[sflag:s23] =	ssyncset.done $0x0  }
0xaa: {  	s25 =	simm.s32 $0x1B8E;
	s24 =	sld [smem:$0x3FFE];
	[sflag:s23] =	ssyncadd.s32 $0xFFFFFFFF  }
0xab: {  	s26 =	simm.s32 $execute0_lowered;
	[smem:$0x3FD2] =	sst s25  }
0xac: {  	s7 =	sshll.u32 s26, $0x1;
	_ =	strace $0x80000046;
	[dreg:$0x1] =	wrdreg $0xFFFFFFFF  }
0xad: {  	s28 =	simm.s32 $_size_execute0_lowered;
	s5 =	sadd.s32 s5, s7;
	[dreg:$0x0] =	wrdreg $0x0  }
0xae: {  	s7 =	sshll.u32 s28, $0x1;
	[dreg:$0x2] =	wrdreg s5  }
0xaf: {  	[dreg:$0x3] =	wrdreg s7  }
0xb0: {  	[dreg:$0x4] =	wrdreg $0xC0  }
0xb1: {  	_ =	task [dreg:s9], $0x5FFFF  }
0xb2: {  	[dreg:$0x1] =	wrdreg $0xFFFFFFFF  }
0xb3: {  	[dreg:$0x0] =	wrdreg $0x60  }
0xb4: {  	[dreg:$0x2] =	wrdreg s15  }
0xb5: {  	[dreg:$0x3] =	wrdreg s17  }
0xb6: {  	[dreg:$0x4] =	wrdreg s16  }
0xb7: {  	[dreg:$0x5] =	wrdreg s24  }
0xb8: {  	[dreg:$0x6] =	wrdreg $0x9  }
0xb9: {  	_ =	task.clear_ibuf [dreg:s9], $0x7FFFF;
	_ =	strace $0x90000046  }
0xba: {  	s29 =	simm.s32 $0x9;
	_ =	strace $0x80000048  }
0xbb: {  	_ =	swait.ge [sflag:s29], $0x1  }
0xbc: {  	[sflag:s29] =	ssyncadd.s32 $0xFFFFFFFF  }
0xbd: {  	_ =	strace $0x90000048  }
0xbe: {  	_ =	sfence  }
0xbf: {  	s30 =	sld [smem:$0x0];
	_ =	sdelay $0x2  }
0xc0: {  	s31 =	sshll.u32 s1, $0xD;
	s1 =	sshrl.u32 s1, $0x2  }
0xc1: {  	s3 =	sand.u32 $0x4000, s31;
	s1 =	sadd.s32 s1, s30  }
0xc2: {  	s0 =	sor.u32 s3, s0;
	s1 =	sshll.u32 s1, $0x11  }
0xc3: {  	s0 =	sor.u32 s1, s0  }
0xc4: {  	s0 =	sadd.s32 $0x8F2B, s0  }
0xc5: {  	[sflag:s0] =	ssyncadd.remote.s32 $0x1  }
0xc6: {  	_ =	sfence.sel $0xFFFF  }
0xc7: {  	[dreg:$0x0] =	wrdreg $0xFFFFFFFF;
	(pc) =	sbr.abs _section_cstart, $3  }
0xc8: {  	[dreg:$0x1] =	wrdreg $0xFFFFFFFF  }
0xc9: {  	_ =	task.clear_ibuf [dreg:s9], $0x2FFFF;
	_ =	strace $0x9FFFFFFF  }
0xca: {  	(tm) =	ssettm $0x7FFFFFFF  }
0xcb: {  	_ =	shalt  }
tec
execute0_lowered:
.L_overlay_start_1:
0x0: {  	(tag) =	ssettag $0x1  }
0x1: {  	s1 =	rddreg [dreg:$0x0]  }
0x2: {  	s0 =	rddreg [dreg:$0x1]  }
0x3: {  	s2 =	rddreg [dreg:$0x2]  }
0x4: {  	s8 =	rddreg [dreg:$0x3]  }
0x5: {  	s3 =	srdreg.scid;
	s4 =	stileid.u32  }
0x6: {  	s24 =	simm.s32 $0x80;
	s25 =	simm.s32 $0x100;
	s26 =	simm.s32 $0x180  }
0x7: {  	s10 =	simm.s32 $0x5;
	s28 =	simm.s32 $0x4200;
	s29 =	simm.s32 $0x4A00  }
0x8: {  	s30 =	simm.s32 $0x5200;
	s31 =	simm.s32 $0x5A00;
	s11 =	simm.s32 $0x7200  }
0x9: {  	s12 =	simm.s32 $0x7A00;
	s13 =	simm.s32 $0x8200;
	s14 =	simm.s32 $0x8A00  }
0xa: {  	s15 =	simm.s32 $0x9200;
	s16 =	simm.s32 $0x9A00;
	s17 =	simm.s32 $0xA200  }
0xb: {  	s18 =	simm.s32 $0xAA00;
	s5 =	sand.u32 $0x1, s3;
	s3 =	simm.s32 $0x0  }
0xc: {  	s4 =	sshll.u32 s4, $0x6;
	s6 =	sshll.u32 s5, $0x5;
	[smem:$0x7FF] =	sst s3  }
0xd: {  	s5 =	ssub.s32 $0x2, s5;
	_ =	strace $0x80000047;
	[dreg:$0x9] =	wrdreg s24  }
0xe: {  	s6 =	sor.u32 s6, s4;
	s4 =	sadd.s32 $0xE00, s8;
	[dreg:$0xa] =	wrdreg s25  }
0xf: {  	s21 =	sshrl.u32 s5, $0x1;
	[dreg:$0xb] =	wrdreg s26;
	s24 =	simm.s32 $0x2A00  }
0x10: {  	s25 =	simm.s32 $0x3200;
	s26 =	simm.s32 $0x3A00;
	s7 =	sadd.s32 s0, s6  }
0x11: {  	s9 =	sor.u32 $0x10, s6;
	s20 =	sadd.s32 s2, s6;
	s23 =	ssub.s32 s5, s21  }
0x12: {  	s5 =	sadd.s32 $0x100, s1;
	s6 =	sadd.s32 $0x200, s1;
	[dreg:$0x5] =	wrdreg s7  }
0x13: {  	s21 =	simm.s32 $0x1200;
	s0 =	sadd.s32 s0, s9;
	[dreg:$0x7] =	wrdreg s20  }
0x14: {  	v2 =	vlaneseq.u32;
	s22 =	sadd.s32 s2, s9;
	s7 =	sadd.s32 $0xF00, s8;
	s8 =	sadd.s32 $0x1000, s8  }
0x15: {  	vm0 =	vmmov $0xffff;
	v1 =	vshrl.u32 v2, $0x3;
	s9 =	smax.u32 s23, $0x1;
	s23 =	simm.s32 $0x2200;
	[dreg:$0x6] =	wrdreg s0  }
0x16: {  	v0 =	vand.u32 $0x7, v2;
	v2 =	vor.u32 $0x8, v2;
	v1 =	vmul.u32 $0x8, v1;
	s2 =	simm.s32 $0x6A00;
	[dreg:$0x8] =	wrdreg s22;
	s22 =	simm.s32 $0x1A00  }
.LBB2_1:
0x17: {  	s19 =	rddreg [dreg:$0x5]  }
0x18: {  	[tilespmem:s3], [sflag:$0x5] =	stream.linear.gather [hbm4b:s19+s3], $0x80, $0x38;
	[tilespmem:$0x18200] =	vst v63  }
0x19: {  	_ =	swait.ge [sflag:s10], $0x80  }
0x1a: {  	s0 =	rddreg [dreg:$0x6];
	[sflag:s10] =	ssyncset.done $0x0  }
0x1b: {  	s20 =	rddreg [dreg:$0x9];
	[sflag:s10] =	ssyncadd.s32 $0xFFFFFF80  }
0x1c: {  	[tilespmem:s20], [sflag:$0x5] =	stream.linear.gather [hbm4b:s0+s3], $0x80, $0x38;
	[tilespmem:$0x18200] =	vst v63  }
0x1d: {  	_ =	swait.ge [sflag:s10], $0x80  }
0x1e: {  	s20 =	rddreg [dreg:$0x7];
	[sflag:s10] =	ssyncset.done $0x0  }
0x1f: {  	s0 =	rddreg [dreg:$0xa];
	[sflag:s10] =	ssyncadd.s32 $0xFFFFFF80  }
0x20: {  	[tilespmem:s0], [sflag:$0x5] =	stream.linear.gather [hbm4b:s20+s3], $0x80, $0x38;
	[tilespmem:$0x18200] =	vst v63  }
0x21: {  	_ =	swait.ge [sflag:s10], $0x80  }
0x22: {  	s20 =	rddreg [dreg:$0x8];
	[sflag:s10] =	ssyncset.done $0x0  }
0x23: {  	s0 =	rddreg [dreg:$0xb];
	[sflag:s10] =	ssyncadd.s32 $0xFFFFFF80  }
0x24: {  	[tilespmem:s0], [sflag:$0x5] =	stream.linear.gather [hbm4b:s20+s3], $0x80, $0x38;
	[tilespmem:$0x18200] =	vst v63  }
0x25: {  	_ =	swait.ge [sflag:s10], $0x80  }
0x26: {  	[sflag:s10] =	ssyncset.done $0x0  }
0x27: {  	[sflag:s10] =	ssyncadd.s32 $0xFFFFFF80  }
0x28: {  	v3 =	vld [tilespmem:$0x0];
	_ =	sdelay $0x4  }
0x29: {  	v4 =	vshrl.u32 v3, $0x3  }
0x2a: {  	v4 =	vmul.u32 $0x30, v4  }
0x2b: {  	v3 =	vand.u32 $0x7, v3  }
0x2c: {  	v3 =	vor.u32 v3, v4  }
0x2d: {  	v4 =	vperm.xlane v3, v0;
	_ =	sdelay $0x1  }
0x2e: {  	v4 =	vadd.s32 v1, v4;
	_ =	sdelay $0x3  }
0x2f: {  	s19 =	simm.s32 $0x200;
	v3 =	vperm.xlane v3, v2  }
0x30: {  	[tilespmem:s19], [sflag:$0x1] =	stream.indirect_vreg.gather [hbm4b:s1+s3], $0x80, v4, vm0, $0xb8;
	[tilespmem:$0x18200] =	vst v63  }
0x31: {  	s20 =	simm.s32 $0xA00;
	v3 =	vadd.s32 v1, v3  }
0x32: {  	[tilespmem:s20], [sflag:$0x1] =	stream.indirect_vreg.gather [hbm4b:s5+s3], $0x80, v4, vm0, $0xb8;
	[tilespmem:$0x18200] =	vst v63  }
0x33: {  	_ = 	snop  }
0x34: {  	[tilespmem:s21], [sflag:$0x1] =	stream.indirect_vreg.gather [hbm4b:s6+s3], $0x80, v4, vm0, $0xb8;
	[tilespmem:$0x18200] =	vst v63  }
0x35: {  	_ = 	snop  }
0x36: {  	[tilespmem:s22], [sflag:$0x1] =	stream.indirect_vreg.gather [hbm4b:s1+s3], $0x80, v3, vm0, $0xb8;
	[tilespmem:$0x18200] =	vst v63  }
0x37: {  	_ = 	snop  }
0x38: {  	[tilespmem:s23], [sflag:$0x1] =	stream.indirect_vreg.gather [hbm4b:s5+s3], $0x80, v3, vm0, $0xb8;
	[tilespmem:$0x18200] =	vst v63  }
0x39: {  	_ = 	snop  }
0x3a: {  	[tilespmem:s24], [sflag:$0x1] =	stream.indirect_vreg.gather [hbm4b:s6+s3], $0x80, v3, vm0, $0xb8;
	[tilespmem:$0x18200] =	vst v63  }
0x3b: {  	v3 =	vld [tilespmem:$0x10];
	_ =	sdelay $0x4  }
0x3c: {  	v49 =	vshrl.u32 v3, $0x3  }
0x3d: {  	v4 =	vmul.u32 $0x30, v49  }
0x3e: {  	v3 =	vand.u32 $0x7, v3  }
0x3f: {  	v3 =	vor.u32 v3, v4  }
0x40: {  	v4 =	vperm.xlane v3, v0;
	_ =	sdelay $0x1  }
0x41: {  	v4 =	vadd.s32 v1, v4;
	_ =	sdelay $0x3  }
0x42: {  	v3 =	vperm.xlane v3, v2  }
0x43: {  	[tilespmem:s25], [sflag:$0x1] =	stream.indirect_vreg.gather [hbm4b:s1+s3], $0x80, v4, vm0, $0xb8;
	[tilespmem:$0x18200] =	vst v63  }
0x44: {  	v3 =	vadd.s32 v1, v3  }
0x45: {  	[tilespmem:s26], [sflag:$0x1] =	stream.indirect_vreg.gather [hbm4b:s5+s3], $0x80, v4, vm0, $0xb8;
	[tilespmem:$0x18200] =	vst v63  }
0x46: {  	_ = 	snop  }
0x47: {  	[tilespmem:s28], [sflag:$0x1] =	stream.indirect_vreg.gather [hbm4b:s6+s3], $0x80, v4, vm0, $0xb8;
	[tilespmem:$0x18200] =	vst v63  }
0x48: {  	_ = 	snop  }
0x49: {  	[tilespmem:s29], [sflag:$0x1] =	stream.indirect_vreg.gather [hbm4b:s1+s3], $0x80, v3, vm0, $0xb8;
	[tilespmem:$0x18200] =	vst v63  }
0x4a: {  	_ = 	snop  }
0x4b: {  	[tilespmem:s30], [sflag:$0x1] =	stream.indirect_vreg.gather [hbm4b:s5+s3], $0x80, v3, vm0, $0xb8;
	[tilespmem:$0x18200] =	vst v63  }
0x4c: {  	_ = 	snop  }
0x4d: {  	[tilespmem:s31], [sflag:$0x1] =	stream.indirect_vreg.gather [hbm4b:s6+s3], $0x80, v3, vm0, $0xb8;
	[tilespmem:$0x18200] =	vst v63  }
0x4e: {  	v3 =	vld [tilespmem:$0x20];
	_ =	sdelay $0x4  }
0x4f: {  	v50 =	vshrl.u32 v3, $0x3  }
0x50: {  	v4 =	vmul.u32 $0x30, v50  }
0x51: {  	v3 =	vand.u32 $0x7, v3  }
0x52: {  	v3 =	vor.u32 v3, v4  }
0x53: {  	v4 =	vperm.xlane v3, v0;
	_ =	sdelay $0x1  }
0x54: {  	v4 =	vadd.s32 v1, v4;
	_ =	sdelay $0x3  }
0x55: {  	s0 =	simm.s32 $0x6200;
	v3 =	vperm.xlane v3, v2  }
0x56: {  	[tilespmem:s0], [sflag:$0x1] =	stream.indirect_vreg.gather [hbm4b:s1+s3], $0x80, v4, vm0, $0xb8;
	[tilespmem:$0x18200] =	vst v63  }
0x57: {  	v3 =	vadd.s32 v1, v3  }
0x58: {  	[tilespmem:s2], [sflag:$0x1] =	stream.indirect_vreg.gather [hbm4b:s5+s3], $0x80, v4, vm0, $0xb8;
	[tilespmem:$0x18200] =	vst v63  }
0x59: {  	_ = 	snop  }
0x5a: {  	[tilespmem:s11], [sflag:$0x1] =	stream.indirect_vreg.gather [hbm4b:s6+s3], $0x80, v4, vm0, $0xb8;
	[tilespmem:$0x18200] =	vst v63  }
0x5b: {  	_ = 	snop  }
0x5c: {  	[tilespmem:s12], [sflag:$0x1] =	stream.indirect_vreg.gather [hbm4b:s1+s3], $0x80, v3, vm0, $0xb8;
	[tilespmem:$0x18200] =	vst v63  }
0x5d: {  	_ = 	snop  }
0x5e: {  	[tilespmem:s13], [sflag:$0x1] =	stream.indirect_vreg.gather [hbm4b:s5+s3], $0x80, v3, vm0, $0xb8;
	[tilespmem:$0x18200] =	vst v63  }
0x5f: {  	_ = 	snop  }
0x60: {  	[tilespmem:s14], [sflag:$0x1] =	stream.indirect_vreg.gather [hbm4b:s6+s3], $0x80, v3, vm0, $0xb8;
	[tilespmem:$0x18200] =	vst v63  }
0x61: {  	v3 =	vld [tilespmem:$0x30];
	_ =	sdelay $0x4  }
0x62: {  	v51 =	vshrl.u32 v3, $0x3  }
0x63: {  	v4 =	vmul.u32 $0x30, v51  }
0x64: {  	v3 =	vand.u32 $0x7, v3  }
0x65: {  	v3 =	vor.u32 v3, v4  }
0x66: {  	v4 =	vperm.xlane v3, v0;
	_ =	sdelay $0x1  }
0x67: {  	v4 =	vadd.s32 v1, v4;
	_ =	sdelay $0x3  }
0x68: {  	v3 =	vperm.xlane v3, v2  }
0x69: {  	[tilespmem:s15], [sflag:$0x1] =	stream.indirect_vreg.gather [hbm4b:s1+s3], $0x80, v4, vm0, $0xb8;
	[tilespmem:$0x18200] =	vst v63  }
0x6a: {  	v3 =	vadd.s32 v1, v3  }
0x6b: {  	[tilespmem:s16], [sflag:$0x1] =	stream.indirect_vreg.gather [hbm4b:s5+s3], $0x80, v4, vm0, $0xb8;
	[tilespmem:$0x18200] =	vst v63  }
0x6c: {  	_ = 	snop  }
0x6d: {  	[tilespmem:s17], [sflag:$0x1] =	stream.indirect_vreg.gather [hbm4b:s6+s3], $0x80, v4, vm0, $0xb8;
	[tilespmem:$0x18200] =	vst v63  }
0x6e: {  	_ = 	snop  }
0x6f: {  	[tilespmem:s18], [sflag:$0x1] =	stream.indirect_vreg.gather [hbm4b:s1+s3], $0x80, v3, vm0, $0xb8;
	[tilespmem:$0x18200] =	vst v63  }
0x70: {  	s0 =	simm.s32 $0xB200  }
0x71: {  	[tilespmem:s0], [sflag:$0x1] =	stream.indirect_vreg.gather [hbm4b:s5+s3], $0x80, v3, vm0, $0xb8;
	[tilespmem:$0x18200] =	vst v63  }
0x72: {  	s0 =	simm.s32 $0xBA00  }
0x73: {  	[tilespmem:s0], [sflag:$0x1] =	stream.indirect_vreg.gather [hbm4b:s6+s3], $0x80, v3, vm0, $0xb8;
	[tilespmem:$0x18200] =	vst v63  }
0x74: {  	v3 =	vld [tilespmem:$0x80];
	_ =	sdelay $0x4  }
0x75: {  	v52 =	vshrl.u32 v3, $0x3  }
0x76: {  	v4 =	vmul.u32 $0x30, v52  }
0x77: {  	v3 =	vand.u32 $0x7, v3  }
0x78: {  	v3 =	vor.u32 v3, v4  }
0x79: {  	v4 =	vperm.xlane v3, v0;
	_ =	sdelay $0x1  }
0x7a: {  	v4 =	vadd.s32 v1, v4;
	_ =	sdelay $0x3  }
0x7b: {  	s0 =	simm.s32 $0xC200;
	v3 =	vperm.xlane v3, v2  }
0x7c: {  	[tilespmem:s0], [sflag:$0x2] =	stream.indirect_vreg.gather [hbm4b:s1+s3], $0x80, v4, vm0, $0xb8;
	[tilespmem:$0x18200] =	vst v63  }
0x7d: {  	v3 =	vadd.s32 v1, v3;
	s0 =	simm.s32 $0xCA00  }
0x7e: {  	[tilespmem:s0], [sflag:$0x2] =	stream.indirect_vreg.gather [hbm4b:s5+s3], $0x80, v4, vm0, $0xb8;
	[tilespmem:$0x18200] =	vst v63  }
0x7f: {  	s0 =	simm.s32 $0xD200  }
0x80: {  	[tilespmem:s0], [sflag:$0x2] =	stream.indirect_vreg.gather [hbm4b:s6+s3], $0x80, v4, vm0, $0xb8;
	[tilespmem:$0x18200] =	vst v63  }
0x81: {  	s0 =	simm.s32 $0xDA00  }
0x82: {  	[tilespmem:s0], [sflag:$0x2] =	stream.indirect_vreg.gather [hbm4b:s1+s3], $0x80, v3, vm0, $0xb8;
	[tilespmem:$0x18200] =	vst v63  }
0x83: {  	s0 =	simm.s32 $0xE200  }
0x84: {  	[tilespmem:s0], [sflag:$0x2] =	stream.indirect_vreg.gather [hbm4b:s5+s3], $0x80, v3, vm0, $0xb8;
	[tilespmem:$0x18200] =	vst v63  }
0x85: {  	s0 =	simm.s32 $0xEA00  }
0x86: {  	[tilespmem:s0], [sflag:$0x2] =	stream.indirect_vreg.gather [hbm4b:s6+s3], $0x80, v3, vm0, $0xb8;
	[tilespmem:$0x18200] =	vst v63  }
0x87: {  	v3 =	vld [tilespmem:$0x90];
	_ =	sdelay $0x4  }
0x88: {  	v53 =	vshrl.u32 v3, $0x3  }
0x89: {  	v4 =	vmul.u32 $0x30, v53  }
0x8a: {  	v3 =	vand.u32 $0x7, v3  }
0x8b: {  	v3 =	vor.u32 v3, v4  }
0x8c: {  	v4 =	vperm.xlane v3, v0;
	_ =	sdelay $0x1  }
0x8d: {  	v4 =	vadd.s32 v1, v4;
	_ =	sdelay $0x3  }
0x8e: {  	s0 =	simm.s32 $0xF200;
	v3 =	vperm.xlane v3, v2  }
0x8f: {  	[tilespmem:s0], [sflag:$0x2] =	stream.indirect_vreg.gather [hbm4b:s1+s3], $0x80, v4, vm0, $0xb8;
	[tilespmem:$0x18200] =	vst v63  }
0x90: {  	v3 =	vadd.s32 v1, v3;
	s0 =	simm.s32 $0xFA00  }
0x91: {  	[tilespmem:s0], [sflag:$0x2] =	stream.indirect_vreg.gather [hbm4b:s5+s3], $0x80, v4, vm0, $0xb8;
	[tilespmem:$0x18200] =	vst v63  }
0x92: {  	s0 =	simm.s32 $0x10200  }
0x93: {  	[tilespmem:s0], [sflag:$0x2] =	stream.indirect_vreg.gather [hbm4b:s6+s3], $0x80, v4, vm0, $0xb8;
	[tilespmem:$0x18200] =	vst v63  }
0x94: {  	s0 =	simm.s32 $0x10A00  }
0x95: {  	[tilespmem:s0], [sflag:$0x2] =	stream.indirect_vreg.gather [hbm4b:s1+s3], $0x80, v3, vm0, $0xb8;
	[tilespmem:$0x18200] =	vst v63  }
0x96: {  	s0 =	simm.s32 $0x11200  }
0x97: {  	[tilespmem:s0], [sflag:$0x2] =	stream.indirect_vreg.gather [hbm4b:s5+s3], $0x80, v3, vm0, $0xb8;
	[tilespmem:$0x18200] =	vst v63  }
0x98: {  	s0 =	simm.s32 $0x11A00  }
0x99: {  	[tilespmem:s0], [sflag:$0x2] =	stream.indirect_vreg.gather [hbm4b:s6+s3], $0x80, v3, vm0, $0xb8;
	[tilespmem:$0x18200] =	vst v63  }
0x9a: {  	v3 =	vld [tilespmem:$0xA0];
	_ =	sdelay $0x4  }
0x9b: {  	v54 =	vshrl.u32 v3, $0x3  }
0x9c: {  	v4 =	vmul.u32 $0x30, v54  }
0x9d: {  	v3 =	vand.u32 $0x7, v3  }
0x9e: {  	v3 =	vor.u32 v3, v4  }
0x9f: {  	v4 =	vperm.xlane v3, v0;
	_ =	sdelay $0x1  }
0xa0: {  	v4 =	vadd.s32 v1, v4;
	_ =	sdelay $0x3  }
0xa1: {  	s0 =	simm.s32 $0x12200;
	v3 =	vperm.xlane v3, v2  }
0xa2: {  	[tilespmem:s0], [sflag:$0x2] =	stream.indirect_vreg.gather [hbm4b:s1+s3], $0x80, v4, vm0, $0xb8;
	[tilespmem:$0x18200] =	vst v63  }
0xa3: {  	v3 =	vadd.s32 v1, v3;
	s0 =	simm.s32 $0x12A00  }
0xa4: {  	[tilespmem:s0], [sflag:$0x2] =	stream.indirect_vreg.gather [hbm4b:s5+s3], $0x80, v4, vm0, $0xb8;
	[tilespmem:$0x18200] =	vst v63  }
0xa5: {  	s0 =	simm.s32 $0x13200  }
0xa6: {  	[tilespmem:s0], [sflag:$0x2] =	stream.indirect_vreg.gather [hbm4b:s6+s3], $0x80, v4, vm0, $0xb8;
	[tilespmem:$0x18200] =	vst v63  }
0xa7: {  	s0 =	simm.s32 $0x13A00  }
0xa8: {  	[tilespmem:s0], [sflag:$0x2] =	stream.indirect_vreg.gather [hbm4b:s1+s3], $0x80, v3, vm0, $0xb8;
	[tilespmem:$0x18200] =	vst v63  }
0xa9: {  	s0 =	simm.s32 $0x14200  }
0xaa: {  	[tilespmem:s0], [sflag:$0x2] =	stream.indirect_vreg.gather [hbm4b:s5+s3], $0x80, v3, vm0, $0xb8;
	[tilespmem:$0x18200] =	vst v63  }
0xab: {  	s0 =	simm.s32 $0x14A00  }
0xac: {  	[tilespmem:s0], [sflag:$0x2] =	stream.indirect_vreg.gather [hbm4b:s6+s3], $0x80, v3, vm0, $0xb8;
	[tilespmem:$0x18200] =	vst v63  }
0xad: {  	v3 =	vld [tilespmem:$0xB0];
	_ =	sdelay $0x4  }
0xae: {  	v55 =	vshrl.u32 v3, $0x3  }
0xaf: {  	v4 =	vmul.u32 $0x30, v55  }
0xb0: {  	v3 =	vand.u32 $0x7, v3  }
0xb1: {  	v3 =	vor.u32 v3, v4  }
0xb2: {  	v4 =	vperm.xlane v3, v0;
	_ =	sdelay $0x1  }
0xb3: {  	v4 =	vadd.s32 v1, v4;
	_ =	sdelay $0x3  }
0xb4: {  	s0 =	simm.s32 $0x15200;
	v3 =	vperm.xlane v3, v2  }
0xb5: {  	[tilespmem:s0], [sflag:$0x2] =	stream.indirect_vreg.gather [hbm4b:s1+s3], $0x80, v4, vm0, $0xb8;
	[tilespmem:$0x18200] =	vst v63  }
0xb6: {  	v3 =	vadd.s32 v1, v3;
	s0 =	simm.s32 $0x15A00  }
0xb7: {  	[tilespmem:s0], [sflag:$0x2] =	stream.indirect_vreg.gather [hbm4b:s5+s3], $0x80, v4, vm0, $0xb8;
	[tilespmem:$0x18200] =	vst v63  }
0xb8: {  	s0 =	simm.s32 $0x16200  }
0xb9: {  	[tilespmem:s0], [sflag:$0x2] =	stream.indirect_vreg.gather [hbm4b:s6+s3], $0x80, v4, vm0, $0xb8;
	[tilespmem:$0x18200] =	vst v63  }
0xba: {  	s0 =	simm.s32 $0x16A00  }
0xbb: {  	[tilespmem:s0], [sflag:$0x2] =	stream.indirect_vreg.gather [hbm4b:s1+s3], $0x80, v3, vm0, $0xb8;
	[tilespmem:$0x18200] =	vst v63  }
0xbc: {  	s0 =	simm.s32 $0x17200  }
0xbd: {  	[tilespmem:s0], [sflag:$0x2] =	stream.indirect_vreg.gather [hbm4b:s5+s3], $0x80, v3, vm0, $0xb8;
	[tilespmem:$0x18200] =	vst v63  }
0xbe: {  	s0 =	simm.s32 $0x17A00  }
0xbf: {  	[tilespmem:s0], [sflag:$0x2] =	stream.indirect_vreg.gather [hbm4b:s6+s3], $0x80, v3, vm0, $0xb8;
	[tilespmem:$0x18200] =	vst v63  }
0xc0: {  	s0 =	simm.s32 $0x1  }
0xc1: {  	_ =	swait.ge [sflag:s0], $0xC000  }
0xc2: {  	[sflag:s0] =	ssyncset.done $0x0  }
0xc3: {  	[sflag:s0] =	ssyncadd.s32 $0xFFFF4000  }
0xc4: {  	v3 =	vld [tilespmem:$0x100];
	_ =	sdelay $0x4  }
0xc5: {  	v56 =	vshrl.u32 v3, $0x3  }
0xc6: {  	v4 =	vmul.u32 $0x30, v56  }
0xc7: {  	v3 =	vand.u32 $0x7, v3  }
0xc8: {  	v3 =	vor.u32 v3, v4  }
0xc9: {  	v4 =	vperm.xlane v3, v0;
	_ =	sdelay $0x1  }
0xca: {  	v4 =	vadd.s32 v1, v4;
	_ =	sdelay $0x3  }
0xcb: {  	v3 =	vperm.xlane v3, v2  }
0xcc: {  	[hbm4b:s4+s3] =	stream.indirect_vreg.scatter [tilespmem:s19], [sflag:$0x3], $0x80, v4, vm0, $0xb8;
	[tilespmem:$0x18200] =	vst v63  }
0xcd: {  	v3 =	vadd.s32 v1, v3  }
0xce: {  	[hbm4b:s7+s3] =	stream.indirect_vreg.scatter [tilespmem:s20], [sflag:$0x3], $0x80, v4, vm0, $0xb8;
	[tilespmem:$0x18200] =	vst v63  }
0xcf: {  	_ = 	snop  }
0xd0: {  	[hbm4b:s8+s3] =	stream.indirect_vreg.scatter [tilespmem:s21], [sflag:$0x3], $0x80, v4, vm0, $0xb8;
	[tilespmem:$0x18200] =	vst v63  }
0xd1: {  	_ = 	snop  }
0xd2: {  	[hbm4b:s4+s3] =	stream.indirect_vreg.scatter [tilespmem:s22], [sflag:$0x3], $0x80, v3, vm0, $0xb8;
	[tilespmem:$0x18200] =	vst v63  }
0xd3: {  	_ = 	snop  }
0xd4: {  	[hbm4b:s7+s3] =	stream.indirect_vreg.scatter [tilespmem:s23], [sflag:$0x3], $0x80, v3, vm0, $0xb8;
	[tilespmem:$0x18200] =	vst v63  }
0xd5: {  	_ = 	snop  }
0xd6: {  	[hbm4b:s8+s3] =	stream.indirect_vreg.scatter [tilespmem:s24], [sflag:$0x3], $0x80, v3, vm0, $0xb8;
	[tilespmem:$0x18200] =	vst v63  }
0xd7: {  	v3 =	vld [tilespmem:$0x110];
	_ =	sdelay $0x4  }
0xd8: {  	v57 =	vshrl.u32 v3, $0x3  }
0xd9: {  	v4 =	vmul.u32 $0x30, v57  }
0xda: {  	v3 =	vand.u32 $0x7, v3  }
0xdb: {  	v3 =	vor.u32 v3, v4  }
0xdc: {  	v4 =	vperm.xlane v3, v0;
	_ =	sdelay $0x1  }
0xdd: {  	v4 =	vadd.s32 v1, v4;
	_ =	sdelay $0x3  }
0xde: {  	v3 =	vperm.xlane v3, v2  }
0xdf: {  	[hbm4b:s4+s3] =	stream.indirect_vreg.scatter [tilespmem:s25], [sflag:$0x3], $0x80, v4, vm0, $0xb8;
	[tilespmem:$0x18200] =	vst v63  }
0xe0: {  	v3 =	vadd.s32 v1, v3  }
0xe1: {  	[hbm4b:s7+s3] =	stream.indirect_vreg.scatter [tilespmem:s26], [sflag:$0x3], $0x80, v4, vm0, $0xb8;
	[tilespmem:$0x18200] =	vst v63  }
0xe2: {  	_ = 	snop  }
0xe3: {  	[hbm4b:s8+s3] =	stream.indirect_vreg.scatter [tilespmem:s28], [sflag:$0x3], $0x80, v4, vm0, $0xb8;
	[tilespmem:$0x18200] =	vst v63  }
0xe4: {  	_ = 	snop  }
0xe5: {  	[hbm4b:s4+s3] =	stream.indirect_vreg.scatter [tilespmem:s29], [sflag:$0x3], $0x80, v3, vm0, $0xb8;
	[tilespmem:$0x18200] =	vst v63  }
0xe6: {  	_ = 	snop  }
0xe7: {  	[hbm4b:s7+s3] =	stream.indirect_vreg.scatter [tilespmem:s30], [sflag:$0x3], $0x80, v3, vm0, $0xb8;
	[tilespmem:$0x18200] =	vst v63  }
0xe8: {  	_ = 	snop  }
0xe9: {  	[hbm4b:s8+s3] =	stream.indirect_vreg.scatter [tilespmem:s31], [sflag:$0x3], $0x80, v3, vm0, $0xb8;
	[tilespmem:$0x18200] =	vst v63  }
0xea: {  	v3 =	vld [tilespmem:$0x120];
	_ =	sdelay $0x4  }
0xeb: {  	v58 =	vshrl.u32 v3, $0x3  }
0xec: {  	v4 =	vmul.u32 $0x30, v58  }
0xed: {  	v3 =	vand.u32 $0x7, v3  }
0xee: {  	v3 =	vor.u32 v3, v4  }
0xef: {  	v4 =	vperm.xlane v3, v0;
	_ =	sdelay $0x1  }
0xf0: {  	v4 =	vadd.s32 v1, v4;
	_ =	sdelay $0x3  }
0xf1: {  	s19 =	simm.s32 $0x6200;
	v3 =	vperm.xlane v3, v2  }
0xf2: {  	[hbm4b:s4+s3] =	stream.indirect_vreg.scatter [tilespmem:s19], [sflag:$0x3], $0x80, v4, vm0, $0xb8;
	[tilespmem:$0x18200] =	vst v63  }
0xf3: {  	v3 =	vadd.s32 v1, v3  }
0xf4: {  	[hbm4b:s7+s3] =	stream.indirect_vreg.scatter [tilespmem:s2], [sflag:$0x3], $0x80, v4, vm0, $0xb8;
	[tilespmem:$0x18200] =	vst v63  }
0xf5: {  	_ = 	snop  }
0xf6: {  	[hbm4b:s8+s3] =	stream.indirect_vreg.scatter [tilespmem:s11], [sflag:$0x3], $0x80, v4, vm0, $0xb8;
	[tilespmem:$0x18200] =	vst v63  }
0xf7: {  	_ = 	snop  }
0xf8: {  	[hbm4b:s4+s3] =	stream.indirect_vreg.scatter [tilespmem:s12], [sflag:$0x3], $0x80, v3, vm0, $0xb8;
	[tilespmem:$0x18200] =	vst v63  }
0xf9: {  	_ = 	snop  }
0xfa: {  	[hbm4b:s7+s3] =	stream.indirect_vreg.scatter [tilespmem:s13], [sflag:$0x3], $0x80, v3, vm0, $0xb8;
	[tilespmem:$0x18200] =	vst v63  }
0xfb: {  	_ = 	snop  }
0xfc: {  	[hbm4b:s8+s3] =	stream.indirect_vreg.scatter [tilespmem:s14], [sflag:$0x3], $0x80, v3, vm0, $0xb8;
	[tilespmem:$0x18200] =	vst v63  }
0xfd: {  	v3 =	vld [tilespmem:$0x130];
	_ =	sdelay $0x4  }
0xfe: {  	v59 =	vshrl.u32 v3, $0x3  }
0xff: {  	v4 =	vmul.u32 $0x30, v59  }
0x100: {  	v3 =	vand.u32 $0x7, v3  }
0x101: {  	v3 =	vor.u32 v3, v4  }
0x102: {  	v4 =	vperm.xlane v3, v0;
	_ =	sdelay $0x1  }
0x103: {  	v4 =	vadd.s32 v1, v4;
	_ =	sdelay $0x3  }
0x104: {  	v3 =	vperm.xlane v3, v2  }
0x105: {  	[hbm4b:s4+s3] =	stream.indirect_vreg.scatter [tilespmem:s15], [sflag:$0x3], $0x80, v4, vm0, $0xb8;
	[tilespmem:$0x18200] =	vst v63  }
0x106: {  	v3 =	vadd.s32 v1, v3  }
0x107: {  	[hbm4b:s7+s3] =	stream.indirect_vreg.scatter [tilespmem:s16], [sflag:$0x3], $0x80, v4, vm0, $0xb8;
	[tilespmem:$0x18200] =	vst v63  }
0x108: {  	_ = 	snop  }
0x109: {  	[hbm4b:s8+s3] =	stream.indirect_vreg.scatter [tilespmem:s17], [sflag:$0x3], $0x80, v4, vm0, $0xb8;
	[tilespmem:$0x18200] =	vst v63  }
0x10a: {  	_ = 	snop  }
0x10b: {  	[hbm4b:s4+s3] =	stream.indirect_vreg.scatter [tilespmem:s18], [sflag:$0x3], $0x80, v3, vm0, $0xb8;
	[tilespmem:$0x18200] =	vst v63  }
0x10c: {  	s20 =	simm.s32 $0xB200  }
0x10d: {  	[hbm4b:s7+s3] =	stream.indirect_vreg.scatter [tilespmem:s20], [sflag:$0x3], $0x80, v3, vm0, $0xb8;
	[tilespmem:$0x18200] =	vst v63  }
0x10e: {  	s19 =	simm.s32 $0xBA00;
	s20 =	simm.s32 $0x2  }
0x10f: {  	[hbm4b:s8+s3] =	stream.indirect_vreg.scatter [tilespmem:s19], [sflag:$0x3], $0x80, v3, vm0, $0xb8;
	[tilespmem:$0x18200] =	vst v63  }
0x110: {  	_ =	swait.ge [sflag:s20], $0xC000  }
0x111: {  	[sflag:s20] =	ssyncset.done $0x0  }
0x112: {  	[sflag:s20] =	ssyncadd.s32 $0xFFFF4000  }
0x113: {  	v3 =	vld [tilespmem:$0x180];
	_ =	sdelay $0x4  }
0x114: {  	v60 =	vshrl.u32 v3, $0x3  }
0x115: {  	v4 =	vmul.u32 $0x30, v60  }
0x116: {  	v3 =	vand.u32 $0x7, v3  }
0x117: {  	v3 =	vor.u32 v3, v4  }
0x118: {  	v4 =	vperm.xlane v3, v0;
	_ =	sdelay $0x1  }
0x119: {  	v4 =	vadd.s32 v1, v4;
	_ =	sdelay $0x3  }
0x11a: {  	s19 =	simm.s32 $0xC200;
	v3 =	vperm.xlane v3, v2  }
0x11b: {  	[hbm4b:s4+s3] =	stream.indirect_vreg.scatter [tilespmem:s19], [sflag:$0x4], $0x80, v4, vm0, $0xb8;
	[tilespmem:$0x18200] =	vst v63  }
0x11c: {  	s20 =	simm.s32 $0xCA00;
	v3 =	vadd.s32 v1, v3  }
0x11d: {  	[hbm4b:s7+s3] =	stream.indirect_vreg.scatter [tilespmem:s20], [sflag:$0x4], $0x80, v4, vm0, $0xb8;
	[tilespmem:$0x18200] =	vst v63  }
0x11e: {  	s19 =	simm.s32 $0xD200  }
0x11f: {  	[hbm4b:s8+s3] =	stream.indirect_vreg.scatter [tilespmem:s19], [sflag:$0x4], $0x80, v4, vm0, $0xb8;
	[tilespmem:$0x18200] =	vst v63  }
0x120: {  	s20 =	simm.s32 $0xDA00  }
0x121: {  	[hbm4b:s4+s3] =	stream.indirect_vreg.scatter [tilespmem:s20], [sflag:$0x4], $0x80, v3, vm0, $0xb8;
	[tilespmem:$0x18200] =	vst v63  }
0x122: {  	s19 =	simm.s32 $0xE200  }
0x123: {  	[hbm4b:s7+s3] =	stream.indirect_vreg.scatter [tilespmem:s19], [sflag:$0x4], $0x80, v3, vm0, $0xb8;
	[tilespmem:$0x18200] =	vst v63  }
0x124: {  	s20 =	simm.s32 $0xEA00  }
0x125: {  	[hbm4b:s8+s3] =	stream.indirect_vreg.scatter [tilespmem:s20], [sflag:$0x4], $0x80, v3, vm0, $0xb8;
	[tilespmem:$0x18200] =	vst v63  }
0x126: {  	v3 =	vld [tilespmem:$0x190];
	_ =	sdelay $0x4  }
0x127: {  	v61 =	vshrl.u32 v3, $0x3  }
0x128: {  	v4 =	vmul.u32 $0x30, v61  }
0x129: {  	v3 =	vand.u32 $0x7, v3  }
0x12a: {  	v3 =	vor.u32 v3, v4  }
0x12b: {  	v4 =	vperm.xlane v3, v0;
	_ =	sdelay $0x1  }
0x12c: {  	v4 =	vadd.s32 v1, v4;
	_ =	sdelay $0x3  }
0x12d: {  	s19 =	simm.s32 $0xF200;
	v3 =	vperm.xlane v3, v2  }
0x12e: {  	[hbm4b:s4+s3] =	stream.indirect_vreg.scatter [tilespmem:s19], [sflag:$0x4], $0x80, v4, vm0, $0xb8;
	[tilespmem:$0x18200] =	vst v63  }
0x12f: {  	s20 =	simm.s32 $0xFA00;
	v3 =	vadd.s32 v1, v3  }
0x130: {  	[hbm4b:s7+s3] =	stream.indirect_vreg.scatter [tilespmem:s20], [sflag:$0x4], $0x80, v4, vm0, $0xb8;
	[tilespmem:$0x18200] =	vst v63  }
0x131: {  	s19 =	simm.s32 $0x10200  }
0x132: {  	[hbm4b:s8+s3] =	stream.indirect_vreg.scatter [tilespmem:s19], [sflag:$0x4], $0x80, v4, vm0, $0xb8;
	[tilespmem:$0x18200] =	vst v63  }
0x133: {  	s20 =	simm.s32 $0x10A00  }
0x134: {  	[hbm4b:s4+s3] =	stream.indirect_vreg.scatter [tilespmem:s20], [sflag:$0x4], $0x80, v3, vm0, $0xb8;
	[tilespmem:$0x18200] =	vst v63  }
0x135: {  	s19 =	simm.s32 $0x11200  }
0x136: {  	[hbm4b:s7+s3] =	stream.indirect_vreg.scatter [tilespmem:s19], [sflag:$0x4], $0x80, v3, vm0, $0xb8;
	[tilespmem:$0x18200] =	vst v63  }
0x137: {  	s20 =	simm.s32 $0x11A00  }
0x138: {  	[hbm4b:s8+s3] =	stream.indirect_vreg.scatter [tilespmem:s20], [sflag:$0x4], $0x80, v3, vm0, $0xb8;
	[tilespmem:$0x18200] =	vst v63  }
0x139: {  	v3 =	vld [tilespmem:$0x1A0];
	_ =	sdelay $0x4  }
0x13a: {  	v62 =	vshrl.u32 v3, $0x3  }
0x13b: {  	v4 =	vmul.u32 $0x30, v62  }
0x13c: {  	v3 =	vand.u32 $0x7, v3  }
0x13d: {  	v3 =	vor.u32 v3, v4  }
0x13e: {  	v4 =	vperm.xlane v3, v0;
	_ =	sdelay $0x1  }
0x13f: {  	v4 =	vadd.s32 v1, v4;
	_ =	sdelay $0x3  }
0x140: {  	s19 =	simm.s32 $0x12200;
	v3 =	vperm.xlane v3, v2  }
0x141: {  	[hbm4b:s4+s3] =	stream.indirect_vreg.scatter [tilespmem:s19], [sflag:$0x4], $0x80, v4, vm0, $0xb8;
	[tilespmem:$0x18200] =	vst v63  }
0x142: {  	s20 =	simm.s32 $0x12A00;
	v3 =	vadd.s32 v1, v3  }
0x143: {  	[hbm4b:s7+s3] =	stream.indirect_vreg.scatter [tilespmem:s20], [sflag:$0x4], $0x80, v4, vm0, $0xb8;
	[tilespmem:$0x18200] =	vst v63  }
0x144: {  	s19 =	simm.s32 $0x13200  }
0x145: {  	[hbm4b:s8+s3] =	stream.indirect_vreg.scatter [tilespmem:s19], [sflag:$0x4], $0x80, v4, vm0, $0xb8;
	[tilespmem:$0x18200] =	vst v63  }
0x146: {  	s20 =	simm.s32 $0x13A00  }
0x147: {  	[hbm4b:s4+s3] =	stream.indirect_vreg.scatter [tilespmem:s20], [sflag:$0x4], $0x80, v3, vm0, $0xb8;
	[tilespmem:$0x18200] =	vst v63  }
0x148: {  	s19 =	simm.s32 $0x14200  }
0x149: {  	[hbm4b:s7+s3] =	stream.indirect_vreg.scatter [tilespmem:s19], [sflag:$0x4], $0x80, v3, vm0, $0xb8;
	[tilespmem:$0x18200] =	vst v63  }
0x14a: {  	s20 =	simm.s32 $0x14A00  }
0x14b: {  	[hbm4b:s8+s3] =	stream.indirect_vreg.scatter [tilespmem:s20], [sflag:$0x4], $0x80, v3, vm0, $0xb8;
	[tilespmem:$0x18200] =	vst v63  }
0x14c: {  	v3 =	vld [tilespmem:$0x1B0];
	_ =	sdelay $0x4  }
0x14d: {  	v63 =	vshrl.u32 v3, $0x3  }
0x14e: {  	v4 =	vmul.u32 $0x30, v63  }
0x14f: {  	v3 =	vand.u32 $0x7, v3  }
0x150: {  	v3 =	vor.u32 v3, v4  }
0x151: {  	v4 =	vperm.xlane v3, v0;
	_ =	sdelay $0x1  }
0x152: {  	v4 =	vadd.s32 v1, v4;
	_ =	sdelay $0x3  }
0x153: {  	s19 =	simm.s32 $0x15200;
	v3 =	vperm.xlane v3, v2  }
0x154: {  	[hbm4b:s4+s3] =	stream.indirect_vreg.scatter [tilespmem:s19], [sflag:$0x4], $0x80, v4, vm0, $0xb8;
	[tilespmem:$0x18200] =	vst v63  }
0x155: {  	s20 =	simm.s32 $0x15A00;
	v3 =	vadd.s32 v1, v3  }
0x156: {  	[hbm4b:s7+s3] =	stream.indirect_vreg.scatter [tilespmem:s20], [sflag:$0x4], $0x80, v4, vm0, $0xb8;
	[tilespmem:$0x18200] =	vst v63  }
0x157: {  	s19 =	simm.s32 $0x16200  }
0x158: {  	[hbm4b:s8+s3] =	stream.indirect_vreg.scatter [tilespmem:s19], [sflag:$0x4], $0x80, v4, vm0, $0xb8;
	[tilespmem:$0x18200] =	vst v63  }
0x159: {  	s20 =	simm.s32 $0x16A00  }
0x15a: {  	[hbm4b:s4+s3] =	stream.indirect_vreg.scatter [tilespmem:s20], [sflag:$0x4], $0x80, v3, vm0, $0xb8;
	[tilespmem:$0x18200] =	vst v63  }
0x15b: {  	s19 =	simm.s32 $0x17200  }
0x15c: {  	[hbm4b:s7+s3] =	stream.indirect_vreg.scatter [tilespmem:s19], [sflag:$0x4], $0x80, v3, vm0, $0xb8;
	[tilespmem:$0x18200] =	vst v63  }
0x15d: {  	s20 =	simm.s32 $0x17A00;
	s19 =	simm.s32 $0x3  }
0x15e: {  	[hbm4b:s8+s3] =	stream.indirect_vreg.scatter [tilespmem:s20], [sflag:$0x4], $0x80, v3, vm0, $0xb8;
	[tilespmem:$0x18200] =	vst v63  }
0x15f: {  	p0 =	sne.s32 s9, $0x1;
	_ =	swait.ge [sflag:s19], $0xC000  }
.Ltmp0:
0x160: {  	[sflag:s19] =	ssyncset.done $0x0;
	(pc) =	sbr.rel @p0 .LBB2_1-.Ltmp0, $4  }
0x161: {  	s20 =	simm.s32 $0x4;
	[sflag:s19] =	ssyncadd.s32 $0xFFFF4000  }
0x162: {  	_ =	swait.ge [sflag:s20], $0xC000  }
0x163: {  	[sflag:s20] =	ssyncset.done $0x0  }
0x164: {  	s9 =	sadd.s32 $0xFFFFFFFF, s9;
	[sflag:s20] =	ssyncadd.s32 $0xFFFF4000  }
0x165: {  	_ =	sfence.sel $0x180000  }
0x166: {  	[bflag:$0x0] =	sbarrier.arrive $0xFFFF  }
0x167: {  	_ =	strace $0x90000047  }
0x168: {  	s0 =	stileid.u32;
	[bflag:$0x2] =	sbarrier.arrive $0xFFFF  }
0x169: {  	p0 =	sne.s32 s0, $0x0;
	s0 =	rddreg [dreg:$0x4]  }
0x16a: {  	s0 =	sadd.s32 @!p0 $0x100000, s0  }
0x16b: {  	[sflag:s0] =	ssyncadd.tile.s32 @!p0 $0x1;
	_ =	shalt  }
.Lfunc_end2:
_tile_overlayer_lowered:
.L_overlay_start_2:
0x16c: {  	(tag) =	ssettag $0x2  }
0x16d: {  	s0 =	rddreg [dreg:$0x0];
	s2 =	stileid.u32  }
0x16e: {  	s1 =	rddreg [dreg:$0x1];
	p0 =	sne.s32 s2, $0x0  }
0x16f: {  	s3 =	rddreg [dreg:$0x2];
	[bflag:$0x3] =	sbarrier.arrive $0xFFFF;
	s2 =	simm.s32 @!p0 $0x1C05  }
0x170: {  	[timem:s3], [sflag:s2] =	dma.local @!p0 [hbm:s0], s1  }
0x171: {  	s0 =	simm.s32 @!p0 $0x5  }
0x172: {  	_ =	swait.ge @!p0 [sflag:s0], s1  }
0x173: {  	s1 =	ssub.s32 @!p0 $0x0, s1;
	[sflag:s0] =	ssyncset.done @!p0 $0x0  }
0x174: {  	[sflag:s0] =	ssyncadd.s32 @!p0 s1  }
0x175: {  	[bflag:$0x3] =	sbarrier.arrive $0xFFFF  }
0x176: {  	_ =	shalt  }

</sc_bundles>
